<compile_context>
chip_gen: v7x
topology: tpu7x:2x2x1
jax: 0.10.2.dev20260603
libtpu: 0.0.44.dev20260713+nightly
codegen_flags: <defaults>
</compile_context>

<pallas_src>
import functools

import jax
import jax.numpy as jnp
from jax import lax
from jax.experimental import pallas as pl
from jax.experimental.pallas import tpu as pltpu
from jax.experimental.pallas import tpu_sc as plsc

D = 64
ROW = 128
GROUP = 4
C = GROUP * ROW


def _make_gather(n_rows: int):
    info = plsc.get_sparse_core_info()
    nw = info.num_cores * info.num_subcores
    rows_per_w = n_rows // nw
    n_steps = rows_per_w // GROUP
    n_pairs = n_steps // 2
    mesh = plsc.VectorSubcoreMesh(core_axis_name="c", subcore_axis_name="s")

    @functools.partial(
        pl.kernel,
        mesh=mesh,
        out_type=jax.ShapeDtypeStruct((n_rows * ROW, 2 * D), jnp.float32),
        scratch_types=[
            pltpu.VMEM((GROUP, ROW), jnp.int32),
            pltpu.VMEM((GROUP, ROW), jnp.int32),
            pltpu.VMEM((C, D), jnp.float32),
            pltpu.VMEM((C, D), jnp.float32),
            pltpu.SemaphoreType.DMA,
            pltpu.SemaphoreType.DMA,
            pltpu.SemaphoreType.DMA,
            pltpu.SemaphoreType.DMA,
            pltpu.SemaphoreType.DMA,
            pltpu.SemaphoreType.DMA,
        ],
        compiler_params=pltpu.CompilerParams(use_tc_tiling_on_sc=False),
    )
    def k(table_hbm, idx_hbm, out_hbm, idx0, idx1, rows0, rows1,
          si0, si1, sg0, sg1, so0, so1):
        wid = lax.axis_index("s") * info.num_cores + lax.axis_index("c")
        start = wid * rows_per_w

        def load_idx(r, idx_v, si):
            pltpu.async_copy(idx_hbm.at[pl.ds(r, GROUP)], idx_v, si)

        def half(r, idx_v, rows_v, si, sg, so, first, last):
            dst = out_hbm.at[pl.ds(r * ROW, C), pl.ds(0, D)]
            pltpu.make_async_copy(idx_hbm.at[pl.ds(r, GROUP)], idx_v, si).wait()
            if not first:
                pltpu.make_async_copy(rows_v, dst, so).wait()
            cps = [
                pltpu.async_copy(
                    table_hbm.at[idx_v.at[j]],
                    rows_v.at[pl.ds(j * ROW, ROW)],
                    sg,
                )
                for j in range(GROUP)
            ]
            for cp in cps:
                cp.wait()
            if not last:
                load_idx(r + 2 * GROUP, idx_v, si)
            pltpu.async_copy(rows_v, dst, so)

        load_idx(start, idx0, si0)
        load_idx(start + GROUP, idx1, si1)

        half(start, idx0, rows0, si0, sg0, so0, first=True, last=False)
        half(start + GROUP, idx1, rows1, si1, sg1, so1, first=True, last=False)

        def body(p, _):
            r = start + 2 * p * GROUP
            half(r, idx0, rows0, si0, sg0, so0, first=False, last=False)
            half(r + GROUP, idx1, rows1, si1, sg1, so1, first=False, last=False)
            return ()

        lax.fori_loop(1, n_pairs - 1, body, (), unroll=False)

        r = start + 2 * (n_pairs - 1) * GROUP
        half(r, idx0, rows0, si0, sg0, so0, first=False, last=True)
        half(r + GROUP, idx1, rows1, si1, sg1, so1, first=False, last=True)

        pltpu.make_async_copy(
            rows0, out_hbm.at[pl.ds(0, C), pl.ds(0, D)], so0).wait()
        pltpu.make_async_copy(
            rows1, out_hbm.at[pl.ds(0, C), pl.ds(0, D)], so1).wait()

    return k


def kernel(token_tensor, table):
    b, l = token_tensor.shape
    vocab = table.shape[0]
    idx = token_tensor.reshape(-1, ROW)
    out2 = _make_gather(idx.shape[0])(table, idx)
    return out2[:, :D].reshape(b, l, D)

# --- scband reference (transcript-rebuilt; emitter-appended) ---
"""Pipeline reference for scband-bpeembedding-5342939316680 (READ-ONLY COPY).

The authoritative reference and input builder live on the scoring server;
editing this copy changes nothing except your own understanding.
"""

import jax, jax.numpy as jnp
import numpy as np

VOCAB = 1000000
D = 64
PAD_IDX = 0
B = 4096
L = 200


def setup_inputs(seed: int = 0) -> dict:
    key = jax.random.key(seed)
    k_tok, k_tab = jax.random.split(key)
    # Pre-tokenized BPE token ids (tiktoken.encode output, padded to max length).
    token_tensor = jax.random.randint(k_tok, (B, L), 0, VOCAB, dtype=jnp.int32)
    # Embedding table (nn.Embedding weight); padding_idx row is zero-initialized.
    table = jax.random.normal(k_tab, (VOCAB, D), dtype=jnp.float32)
    table = table.at[PAD_IDX].set(0.0)
    return {"token_tensor": token_tensor, "table": table}


def reference(token_tensor, table):
    # nn.Embedding with padding_idx: the PAD row always embeds to zeros.
    tab = table.at[PAD_IDX].set(0.0)
    embeddings = jnp.take(tab, token_tensor, axis=0)  # (B, L, D)
    return embeddings

if __name__ == "__main__":
    import jax
    _d = setup_inputs()
    print(jax.jit(kernel)(*tuple(_d.values())))

</pallas_src>

<mosaic_0001>
#map = affine_map<(d0, d1) -> (0, 0)>
module attributes {stable_mosaic.version = 14 : i64} {
  func.func @k(%arg0: i32, %arg1: i32, %arg2: memref<1000000x64xf32, #tpu.memory_space<hbm>>, %arg3: memref<6400x128xi32, #tpu.memory_space<hbm>>, %arg4: memref<819200x128xf32, #tpu.memory_space<hbm>>, %arg5: memref<4x128xi32, #tpu.memory_space<vmem>>, %arg6: memref<4x128xi32, #tpu.memory_space<vmem>>, %arg7: memref<512x64xf32, #tpu.memory_space<vmem>>, %arg8: memref<512x64xf32, #tpu.memory_space<vmem>>, %arg9: memref<!tpu.dma_semaphore, #tpu.memory_space<semaphore_mem>>, %arg10: memref<!tpu.dma_semaphore, #tpu.memory_space<semaphore_mem>>, %arg11: memref<!tpu.dma_semaphore, #tpu.memory_space<semaphore_mem>>, %arg12: memref<!tpu.dma_semaphore, #tpu.memory_space<semaphore_mem>>, %arg13: memref<!tpu.dma_semaphore, #tpu.memory_space<semaphore_mem>>, %arg14: memref<!tpu.dma_semaphore, #tpu.memory_space<semaphore_mem>>) attributes {dimension_semantics = [#tpu.dimension_semantics<core_parallel>, #tpu.dimension_semantics<subcore_parallel>], iteration_bounds = array<i64: 2, 16>, scalar_prefetch = 0 : i64, scratch_operands = 10 : i64, tpu.core_type = #tpu.core_type<sc_vector_subcore>, window_params = [{transform_indices = #map}, {transform_indices = #map}, {transform_indices = #map}]} {
    %mul3A = arith.constant 2 : i32
    %mul3A_0 = arith.muli %arg1, %mul3A : i32
    %add3A = arith.addi %mul3A_0, %arg0 : i32
    %mul3A_1 = arith.constant 200 : i32
    %mul3A_2 = arith.muli %add3A, %mul3A_1 : i32
    %dma_start3A = arith.constant 0 : i32
    %dma_start3A_3 = tpu.memref_slice %arg3[%mul3A_2, %dma_start3A] : memref<6400x128xi32, #tpu.memory_space<hbm>> -> memref<4x128xi32, #tpu.memory_space<hbm>>
    %dma_start3A_4 = arith.constant 0 : i32
    %dma_start3A_5 = tpu.memref_slice %arg3[%mul3A_2, %dma_start3A_4] : memref<6400x128xi32, #tpu.memory_space<hbm>> -> memref<4x128xi32, #tpu.memory_space<hbm>>
    tpu.enqueue_dma source(%dma_start3A_5 : memref<4x128xi32, #tpu.memory_space<hbm>>) target(%arg5 : memref<4x128xi32, #tpu.memory_space<vmem>>) target_semaphore(%arg9 : memref<!tpu.dma_semaphore, #tpu.memory_space<semaphore_mem>>)
    %add3A_6 = arith.constant 4 : i32
    %add3A_7 = arith.addi %mul3A_2, %add3A_6 : i32
    %dma_start3A_8 = arith.constant 0 : i32
    %dma_start3A_9 = tpu.memref_slice %arg3[%add3A_7, %dma_start3A_8] : memref<6400x128xi32, #tpu.memory_space<hbm>> -> memref<4x128xi32, #tpu.memory_space<hbm>>
    %dma_start3A_10 = arith.constant 0 : i32
    %dma_start3A_11 = tpu.memref_slice %arg3[%add3A_7, %dma_start3A_10] : memref<6400x128xi32, #tpu.memory_space<hbm>> -> memref<4x128xi32, #tpu.memory_space<hbm>>
    tpu.enqueue_dma source(%dma_start3A_11 : memref<4x128xi32, #tpu.memory_space<hbm>>) target(%arg6 : memref<4x128xi32, #tpu.memory_space<vmem>>) target_semaphore(%arg10 : memref<!tpu.dma_semaphore, #tpu.memory_space<semaphore_mem>>)
    %mul3A_12 = arith.constant 128 : i32
    %mul3A_13 = arith.muli %mul3A_2, %mul3A_12 : i32
    %dma_wait3A = arith.constant 0 : i32
    %dma_wait3A_14 = tpu.memref_slice %arg3[%mul3A_2, %dma_wait3A] : memref<6400x128xi32, #tpu.memory_space<hbm>> -> memref<4x128xi32, #tpu.memory_space<hbm>>
    %dma_wait3A_15 = arith.constant 0 : i32
    %dma_wait3A_16 = tpu.memref_slice %arg3[%mul3A_2, %dma_wait3A_15] : memref<6400x128xi32, #tpu.memory_space<hbm>> -> memref<4x128xi32, #tpu.memory_space<hbm>>
    tpu.wait_dma2 semaphore(%arg9 : memref<!tpu.dma_semaphore, #tpu.memory_space<semaphore_mem>>) src(%dma_wait3A_16 : memref<4x128xi32, #tpu.memory_space<hbm>>) dst(%arg5 : memref<4x128xi32, #tpu.memory_space<vmem>>)
    %dma_start3A_17 = arith.constant 0 : i32
    %dma_start3A_18 = arith.constant 0 : i32
    %dma_start3A_19 = arith.constant 0 : i32
    %dma_start3A_20 = tpu.memref_slice %arg7[%dma_start3A_18, %dma_start3A_19] : memref<512x64xf32, #tpu.memory_space<vmem>> -> memref<128x64xf32, #tpu.memory_space<vmem>>
    %dma_start3A_21 = arith.constant 0 : i32
    %dma_start3A_22 = tpu.memref_slice %arg5[%dma_start3A_17, %dma_start3A_21] : memref<4x128xi32, #tpu.memory_space<vmem>> -> memref<1x128xi32, #tpu.memory_space<vmem>>
    %dma_start3A_23 = tpu.memref_squeeze %dma_start3A_22 : memref<1x128xi32, #tpu.memory_space<vmem>> -> memref<128xi32, #tpu.memory_space<vmem>>
    %dma_start3A_24 = arith.constant 0 : i32
    %dma_start3A_25 = arith.constant 0 : i32
    %dma_start3A_26 = tpu.memref_slice %arg2[%dma_start3A_24, %dma_start3A_25] : memref<1000000x64xf32, #tpu.memory_space<hbm>> -> memref<1000000x64xf32, #tpu.memory_space<hbm>>
    tpu.enqueue_indirect_dma source(%dma_start3A_26 : memref<1000000x64xf32, #tpu.memory_space<hbm>>) target(%dma_start3A_20 : memref<128x64xf32, #tpu.memory_space<vmem>>) offsets(%dma_start3A_23 : memref<128xi32, #tpu.memory_space<vmem>>) semaphore(%arg11 : memref<!tpu.dma_semaphore, #tpu.memory_space<semaphore_mem>>)
    %dma_start3A_27 = arith.constant 1 : i32
    %dma_start3A_28 = arith.constant 128 : i32
    %dma_start3A_29 = arith.constant 0 : i32
    %dma_start3A_30 = tpu.memref_slice %arg7[%dma_start3A_28, %dma_start3A_29] : memref<512x64xf32, #tpu.memory_space<vmem>> -> memref<128x64xf32, #tpu.memory_space<vmem>>
    %dma_start3A_31 = arith.constant 0 : i32
    %dma_start3A_32 = tpu.memref_slice %arg5[%dma_start3A_27, %dma_start3A_31] : memref<4x128xi32, #tpu.memory_space<vmem>> -> memref<1x128xi32, #tpu.memory_space<vmem>>
    %dma_start3A_33 = tpu.memref_squeeze %dma_start3A_32 : memref<1x128xi32, #tpu.memory_space<vmem>> -> memref<128xi32, #tpu.memory_space<vmem>>
    %dma_start3A_34 = arith.constant 0 : i32
    %dma_start3A_35 = arith.constant 0 : i32
    %dma_start3A_36 = tpu.memref_slice %arg2[%dma_start3A_34, %dma_start3A_35] : memref<1000000x64xf32, #tpu.memory_space<hbm>> -> memref<1000000x64xf32, #tpu.memory_space<hbm>>
    tpu.enqueue_indirect_dma source(%dma_start3A_36 : memref<1000000x64xf32, #tpu.memory_space<hbm>>) target(%dma_start3A_30 : memref<128x64xf32, #tpu.memory_space<vmem>>) offsets(%dma_start3A_33 : memref<128xi32, #tpu.memory_space<vmem>>) semaphore(%arg11 : memref<!tpu.dma_semaphore, #tpu.memory_space<semaphore_mem>>)
    %dma_start3A_37 = arith.constant 2 : i32
    %dma_start3A_38 = arith.constant 256 : i32
    %dma_start3A_39 = arith.constant 0 : i32
    %dma_start3A_40 = tpu.memref_slice %arg7[%dma_start3A_38, %dma_start3A_39] : memref<512x64xf32, #tpu.memory_space<vmem>> -> memref<128x64xf32, #tpu.memory_space<vmem>>
    %dma_start3A_41 = arith.constant 0 : i32
    %dma_start3A_42 = tpu.memref_slice %arg5[%dma_start3A_37, %dma_start3A_41] : memref<4x128xi32, #tpu.memory_space<vmem>> -> memref<1x128xi32, #tpu.memory_space<vmem>>
    %dma_start3A_43 = tpu.memref_squeeze %dma_start3A_42 : memref<1x128xi32, #tpu.memory_space<vmem>> -> memref<128xi32, #tpu.memory_space<vmem>>
    %dma_start3A_44 = arith.constant 0 : i32
    %dma_start3A_45 = arith.constant 0 : i32
    %dma_start3A_46 = tpu.memref_slice %arg2[%dma_start3A_44, %dma_start3A_45] : memref<1000000x64xf32, #tpu.memory_space<hbm>> -> memref<1000000x64xf32, #tpu.memory_space<hbm>>
    tpu.enqueue_indirect_dma source(%dma_start3A_46 : memref<1000000x64xf32, #tpu.memory_space<hbm>>) target(%dma_start3A_40 : memref<128x64xf32, #tpu.memory_space<vmem>>) offsets(%dma_start3A_43 : memref<128xi32, #tpu.memory_space<vmem>>) semaphore(%arg11 : memref<!tpu.dma_semaphore, #tpu.memory_space<semaphore_mem>>)
    %dma_start3A_47 = arith.constant 3 : i32
    %dma_start3A_48 = arith.constant 384 : i32
    %dma_start3A_49 = arith.constant 0 : i32
    %dma_start3A_50 = tpu.memref_slice %arg7[%dma_start3A_48, %dma_start3A_49] : memref<512x64xf32, #tpu.memory_space<vmem>> -> memref<128x64xf32, #tpu.memory_space<vmem>>
    %dma_start3A_51 = arith.constant 0 : i32
    %dma_start3A_52 = tpu.memref_slice %arg5[%dma_start3A_47, %dma_start3A_51] : memref<4x128xi32, #tpu.memory_space<vmem>> -> memref<1x128xi32, #tpu.memory_space<vmem>>
    %dma_start3A_53 = tpu.memref_squeeze %dma_start3A_52 : memref<1x128xi32, #tpu.memory_space<vmem>> -> memref<128xi32, #tpu.memory_space<vmem>>
    %dma_start3A_54 = arith.constant 0 : i32
    %dma_start3A_55 = arith.constant 0 : i32
    %dma_start3A_56 = tpu.memref_slice %arg2[%dma_start3A_54, %dma_start3A_55] : memref<1000000x64xf32, #tpu.memory_space<hbm>> -> memref<1000000x64xf32, #tpu.memory_space<hbm>>
    tpu.enqueue_indirect_dma source(%dma_start3A_56 : memref<1000000x64xf32, #tpu.memory_space<hbm>>) target(%dma_start3A_50 : memref<128x64xf32, #tpu.memory_space<vmem>>) offsets(%dma_start3A_53 : memref<128xi32, #tpu.memory_space<vmem>>) semaphore(%arg11 : memref<!tpu.dma_semaphore, #tpu.memory_space<semaphore_mem>>)
    %dma_wait3A_57 = arith.constant 0 : i32
    %dma_wait3A_58 = arith.constant 0 : i32
    %dma_wait3A_59 = arith.constant 0 : i32
    %dma_wait3A_60 = tpu.memref_slice %arg7[%dma_wait3A_58, %dma_wait3A_59] : memref<512x64xf32, #tpu.memory_space<vmem>> -> memref<128x64xf32, #tpu.memory_space<vmem>>
    %dma_wait3A_61 = arith.constant 0 : i32
    %dma_wait3A_62 = tpu.memref_slice %arg5[%dma_wait3A_57, %dma_wait3A_61] : memref<4x128xi32, #tpu.memory_space<vmem>> -> memref<1x128xi32, #tpu.memory_space<vmem>>
    %dma_wait3A_63 = tpu.memref_squeeze %dma_wait3A_62 : memref<1x128xi32, #tpu.memory_space<vmem>> -> memref<128xi32, #tpu.memory_space<vmem>>
    %dma_wait3A_64 = arith.constant 0 : i32
    %dma_wait3A_65 = arith.constant 0 : i32
    %dma_wait3A_66 = tpu.memref_slice %arg2[%dma_wait3A_64, %dma_wait3A_65] : memref<1000000x64xf32, #tpu.memory_space<hbm>> -> memref<1000000x64xf32, #tpu.memory_space<hbm>>
    tpu.wait_indirect_dma semaphore(%arg11 : memref<!tpu.dma_semaphore, #tpu.memory_space<semaphore_mem>>) src(%dma_wait3A_66 : memref<1000000x64xf32, #tpu.memory_space<hbm>>) dst(%dma_wait3A_60 : memref<128x64xf32, #tpu.memory_space<vmem>>)
    %dma_wait3A_67 = arith.constant 1 : i32
    %dma_wait3A_68 = arith.constant 128 : i32
    %dma_wait3A_69 = arith.constant 0 : i32
    %dma_wait3A_70 = tpu.memref_slice %arg7[%dma_wait3A_68, %dma_wait3A_69] : memref<512x64xf32, #tpu.memory_space<vmem>> -> memref<128x64xf32, #tpu.memory_space<vmem>>
    %dma_wait3A_71 = arith.constant 0 : i32
    %dma_wait3A_72 = tpu.memref_slice %arg5[%dma_wait3A_67, %dma_wait3A_71] : memref<4x128xi32, #tpu.memory_space<vmem>> -> memref<1x128xi32, #tpu.memory_space<vmem>>
    %dma_wait3A_73 = tpu.memref_squeeze %dma_wait3A_72 : memref<1x128xi32, #tpu.memory_space<vmem>> -> memref<128xi32, #tpu.memory_space<vmem>>
    %dma_wait3A_74 = arith.constant 0 : i32
    %dma_wait3A_75 = arith.constant 0 : i32
    %dma_wait3A_76 = tpu.memref_slice %arg2[%dma_wait3A_74, %dma_wait3A_75] : memref<1000000x64xf32, #tpu.memory_space<hbm>> -> memref<1000000x64xf32, #tpu.memory_space<hbm>>
    tpu.wait_indirect_dma semaphore(%arg11 : memref<!tpu.dma_semaphore, #tpu.memory_space<semaphore_mem>>) src(%dma_wait3A_76 : memref<1000000x64xf32, #tpu.memory_space<hbm>>) dst(%dma_wait3A_70 : memref<128x64xf32, #tpu.memory_space<vmem>>)
    %dma_wait3A_77 = arith.constant 2 : i32
    %dma_wait3A_78 = arith.constant 256 : i32
    %dma_wait3A_79 = arith.constant 0 : i32
    %dma_wait3A_80 = tpu.memref_slice %arg7[%dma_wait3A_78, %dma_wait3A_79] : memref<512x64xf32, #tpu.memory_space<vmem>> -> memref<128x64xf32, #tpu.memory_space<vmem>>
    %dma_wait3A_81 = arith.constant 0 : i32
    %dma_wait3A_82 = tpu.memref_slice %arg5[%dma_wait3A_77, %dma_wait3A_81] : memref<4x128xi32, #tpu.memory_space<vmem>> -> memref<1x128xi32, #tpu.memory_space<vmem>>
    %dma_wait3A_83 = tpu.memref_squeeze %dma_wait3A_82 : memref<1x128xi32, #tpu.memory_space<vmem>> -> memref<128xi32, #tpu.memory_space<vmem>>
    %dma_wait3A_84 = arith.constant 0 : i32
    %dma_wait3A_85 = arith.constant 0 : i32
    %dma_wait3A_86 = tpu.memref_slice %arg2[%dma_wait3A_84, %dma_wait3A_85] : memref<1000000x64xf32, #tpu.memory_space<hbm>> -> memref<1000000x64xf32, #tpu.memory_space<hbm>>
    tpu.wait_indirect_dma semaphore(%arg11 : memref<!tpu.dma_semaphore, #tpu.memory_space<semaphore_mem>>) src(%dma_wait3A_86 : memref<1000000x64xf32, #tpu.memory_space<hbm>>) dst(%dma_wait3A_80 : memref<128x64xf32, #tpu.memory_space<vmem>>)
    %dma_wait3A_87 = arith.constant 3 : i32
    %dma_wait3A_88 = arith.constant 384 : i32
    %dma_wait3A_89 = arith.constant 0 : i32
    %dma_wait3A_90 = tpu.memref_slice %arg7[%dma_wait3A_88, %dma_wait3A_89] : memref<512x64xf32, #tpu.memory_space<vmem>> -> memref<128x64xf32, #tpu.memory_space<vmem>>
    %dma_wait3A_91 = arith.constant 0 : i32
    %dma_wait3A_92 = tpu.memref_slice %arg5[%dma_wait3A_87, %dma_wait3A_91] : memref<4x128xi32, #tpu.memory_space<vmem>> -> memref<1x128xi32, #tpu.memory_space<vmem>>
    %dma_wait3A_93 = tpu.memref_squeeze %dma_wait3A_92 : memref<1x128xi32, #tpu.memory_space<vmem>> -> memref<128xi32, #tpu.memory_space<vmem>>
    %dma_wait3A_94 = arith.constant 0 : i32
    %dma_wait3A_95 = arith.constant 0 : i32
    %dma_wait3A_96 = tpu.memref_slice %arg2[%dma_wait3A_94, %dma_wait3A_95] : memref<1000000x64xf32, #tpu.memory_space<hbm>> -> memref<1000000x64xf32, #tpu.memory_space<hbm>>
    tpu.wait_indirect_dma semaphore(%arg11 : memref<!tpu.dma_semaphore, #tpu.memory_space<semaphore_mem>>) src(%dma_wait3A_96 : memref<1000000x64xf32, #tpu.memory_space<hbm>>) dst(%dma_wait3A_90 : memref<128x64xf32, #tpu.memory_space<vmem>>)
    %add3A_97 = arith.constant 8 : i32
    %add3A_98 = arith.addi %mul3A_2, %add3A_97 : i32
    %dma_start3A_99 = arith.constant 0 : i32
    %dma_start3A_100 = tpu.memref_slice %arg3[%add3A_98, %dma_start3A_99] : memref<6400x128xi32, #tpu.memory_space<hbm>> -> memref<4x128xi32, #tpu.memory_space<hbm>>
    %dma_start3A_101 = arith.constant 0 : i32
    %dma_start3A_102 = tpu.memref_slice %arg3[%add3A_98, %dma_start3A_101] : memref<6400x128xi32, #tpu.memory_space<hbm>> -> memref<4x128xi32, #tpu.memory_space<hbm>>
    tpu.enqueue_dma source(%dma_start3A_102 : memref<4x128xi32, #tpu.memory_space<hbm>>) target(%arg5 : memref<4x128xi32, #tpu.memory_space<vmem>>) target_semaphore(%arg9 : memref<!tpu.dma_semaphore, #tpu.memory_space<semaphore_mem>>)
    %dma_start3A_103 = arith.constant 0 : i32
    %dma_start3A_104 = tpu.memref_slice %arg4[%mul3A_13, %dma_start3A_103] : memref<819200x128xf32, #tpu.memory_space<hbm>> -> memref<512x64xf32, #tpu.memory_space<hbm>>
    %dma_start3A_105 = arith.constant 0 : i32
    %dma_start3A_106 = tpu.memref_slice %arg4[%mul3A_13, %dma_start3A_105] : memref<819200x128xf32, #tpu.memory_space<hbm>> -> memref<512x64xf32, #tpu.memory_space<hbm>>
    tpu.enqueue_dma source(%arg7 : memref<512x64xf32, #tpu.memory_space<vmem>>) target(%dma_start3A_106 : memref<512x64xf32, #tpu.memory_space<hbm>>) target_semaphore(%arg13 : memref<!tpu.dma_semaphore, #tpu.memory_space<semaphore_mem>>)
    %add3A_107 = arith.constant 4 : i32
    %add3A_108 = arith.addi %mul3A_2, %add3A_107 : i32
    %mul3A_109 = arith.constant 128 : i32
    %mul3A_110 = arith.muli %add3A_108, %mul3A_109 : i32
    %dma_wait3A_111 = arith.constant 0 : i32
    %dma_wait3A_112 = tpu.memref_slice %arg3[%add3A_108, %dma_wait3A_111] : memref<6400x128xi32, #tpu.memory_space<hbm>> -> memref<4x128xi32, #tpu.memory_space<hbm>>
    %dma_wait3A_113 = arith.constant 0 : i32
    %dma_wait3A_114 = tpu.memref_slice %arg3[%add3A_108, %dma_wait3A_113] : memref<6400x128xi32, #tpu.memory_space<hbm>> -> memref<4x128xi32, #tpu.memory_space<hbm>>
    tpu.wait_dma2 semaphore(%arg10 : memref<!tpu.dma_semaphore, #tpu.memory_space<semaphore_mem>>) src(%dma_wait3A_114 : memref<4x128xi32, #tpu.memory_space<hbm>>) dst(%arg6 : memref<4x128xi32, #tpu.memory_space<vmem>>)
    %dma_start3A_115 = arith.constant 0 : i32
    %dma_start3A_116 = arith.constant 0 : i32
    %dma_start3A_117 = arith.constant 0 : i32
    %dma_start3A_118 = tpu.memref_slice %arg8[%dma_start3A_116, %dma_start3A_117] : memref<512x64xf32, #tpu.memory_space<vmem>> -> memref<128x64xf32, #tpu.memory_space<vmem>>
    %dma_start3A_119 = arith.constant 0 : i32
    %dma_start3A_120 = tpu.memref_slice %arg6[%dma_start3A_115, %dma_start3A_119] : memref<4x128xi32, #tpu.memory_space<vmem>> -> memref<1x128xi32, #tpu.memory_space<vmem>>
    %dma_start3A_121 = tpu.memref_squeeze %dma_start3A_120 : memref<1x128xi32, #tpu.memory_space<vmem>> -> memref<128xi32, #tpu.memory_space<vmem>>
    %dma_start3A_122 = arith.constant 0 : i32
    %dma_start3A_123 = arith.constant 0 : i32
    %dma_start3A_124 = tpu.memref_slice %arg2[%dma_start3A_122, %dma_start3A_123] : memref<1000000x64xf32, #tpu.memory_space<hbm>> -> memref<1000000x64xf32, #tpu.memory_space<hbm>>
    tpu.enqueue_indirect_dma source(%dma_start3A_124 : memref<1000000x64xf32, #tpu.memory_space<hbm>>) target(%dma_start3A_118 : memref<128x64xf32, #tpu.memory_space<vmem>>) offsets(%dma_start3A_121 : memref<128xi32, #tpu.memory_space<vmem>>) semaphore(%arg12 : memref<!tpu.dma_semaphore, #tpu.memory_space<semaphore_mem>>)
    %dma_start3A_125 = arith.constant 1 : i32
    %dma_start3A_126 = arith.constant 128 : i32
    %dma_start3A_127 = arith.constant 0 : i32
    %dma_start3A_128 = tpu.memref_slice %arg8[%dma_start3A_126, %dma_start3A_127] : memref<512x64xf32, #tpu.memory_space<vmem>> -> memref<128x64xf32, #tpu.memory_space<vmem>>
    %dma_start3A_129 = arith.constant 0 : i32
    %dma_start3A_130 = tpu.memref_slice %arg6[%dma_start3A_125, %dma_start3A_129] : memref<4x128xi32, #tpu.memory_space<vmem>> -> memref<1x128xi32, #tpu.memory_space<vmem>>
    %dma_start3A_131 = tpu.memref_squeeze %dma_start3A_130 : memref<1x128xi32, #tpu.memory_space<vmem>> -> memref<128xi32, #tpu.memory_space<vmem>>
    %dma_start3A_132 = arith.constant 0 : i32
    %dma_start3A_133 = arith.constant 0 : i32
    %dma_start3A_134 = tpu.memref_slice %arg2[%dma_start3A_132, %dma_start3A_133] : memref<1000000x64xf32, #tpu.memory_space<hbm>> -> memref<1000000x64xf32, #tpu.memory_space<hbm>>
    tpu.enqueue_indirect_dma source(%dma_start3A_134 : memref<1000000x64xf32, #tpu.memory_space<hbm>>) target(%dma_start3A_128 : memref<128x64xf32, #tpu.memory_space<vmem>>) offsets(%dma_start3A_131 : memref<128xi32, #tpu.memory_space<vmem>>) semaphore(%arg12 : memref<!tpu.dma_semaphore, #tpu.memory_space<semaphore_mem>>)
    %dma_start3A_135 = arith.constant 2 : i32
    %dma_start3A_136 = arith.constant 256 : i32
    %dma_start3A_137 = arith.constant 0 : i32
    %dma_start3A_138 = tpu.memref_slice %arg8[%dma_start3A_136, %dma_start3A_137] : memref<512x64xf32, #tpu.memory_space<vmem>> -> memref<128x64xf32, #tpu.memory_space<vmem>>
    %dma_start3A_139 = arith.constant 0 : i32
    %dma_start3A_140 = tpu.memref_slice %arg6[%dma_start3A_135, %dma_start3A_139] : memref<4x128xi32, #tpu.memory_space<vmem>> -> memref<1x128xi32, #tpu.memory_space<vmem>>
    %dma_start3A_141 = tpu.memref_squeeze %dma_start3A_140 : memref<1x128xi32, #tpu.memory_space<vmem>> -> memref<128xi32, #tpu.memory_space<vmem>>
    %dma_start3A_142 = arith.constant 0 : i32
    %dma_start3A_143 = arith.constant 0 : i32
    %dma_start3A_144 = tpu.memref_slice %arg2[%dma_start3A_142, %dma_start3A_143] : memref<1000000x64xf32, #tpu.memory_space<hbm>> -> memref<1000000x64xf32, #tpu.memory_space<hbm>>
    tpu.enqueue_indirect_dma source(%dma_start3A_144 : memref<1000000x64xf32, #tpu.memory_space<hbm>>) target(%dma_start3A_138 : memref<128x64xf32, #tpu.memory_space<vmem>>) offsets(%dma_start3A_141 : memref<128xi32, #tpu.memory_space<vmem>>) semaphore(%arg12 : memref<!tpu.dma_semaphore, #tpu.memory_space<semaphore_mem>>)
    %dma_start3A_145 = arith.constant 3 : i32
    %dma_start3A_146 = arith.constant 384 : i32
    %dma_start3A_147 = arith.constant 0 : i32
    %dma_start3A_148 = tpu.memref_slice %arg8[%dma_start3A_146, %dma_start3A_147] : memref<512x64xf32, #tpu.memory_space<vmem>> -> memref<128x64xf32, #tpu.memory_space<vmem>>
    %dma_start3A_149 = arith.constant 0 : i32
    %dma_start3A_150 = tpu.memref_slice %arg6[%dma_start3A_145, %dma_start3A_149] : memref<4x128xi32, #tpu.memory_space<vmem>> -> memref<1x128xi32, #tpu.memory_space<vmem>>
    %dma_start3A_151 = tpu.memref_squeeze %dma_start3A_150 : memref<1x128xi32, #tpu.memory_space<vmem>> -> memref<128xi32, #tpu.memory_space<vmem>>
    %dma_start3A_152 = arith.constant 0 : i32
    %dma_start3A_153 = arith.constant 0 : i32
    %dma_start3A_154 = tpu.memref_slice %arg2[%dma_start3A_152, %dma_start3A_153] : memref<1000000x64xf32, #tpu.memory_space<hbm>> -> memref<1000000x64xf32, #tpu.memory_space<hbm>>
    tpu.enqueue_indirect_dma source(%dma_start3A_154 : memref<1000000x64xf32, #tpu.memory_space<hbm>>) target(%dma_start3A_148 : memref<128x64xf32, #tpu.memory_space<vmem>>) offsets(%dma_start3A_151 : memref<128xi32, #tpu.memory_space<vmem>>) semaphore(%arg12 : memref<!tpu.dma_semaphore, #tpu.memory_space<semaphore_mem>>)
    %dma_wait3A_155 = arith.constant 0 : i32
    %dma_wait3A_156 = arith.constant 0 : i32
    %dma_wait3A_157 = arith.constant 0 : i32
    %dma_wait3A_158 = tpu.memref_slice %arg8[%dma_wait3A_156, %dma_wait3A_157] : memref<512x64xf32, #tpu.memory_space<vmem>> -> memref<128x64xf32, #tpu.memory_space<vmem>>
    %dma_wait3A_159 = arith.constant 0 : i32
    %dma_wait3A_160 = tpu.memref_slice %arg6[%dma_wait3A_155, %dma_wait3A_159] : memref<4x128xi32, #tpu.memory_space<vmem>> -> memref<1x128xi32, #tpu.memory_space<vmem>>
    %dma_wait3A_161 = tpu.memref_squeeze %dma_wait3A_160 : memref<1x128xi32, #tpu.memory_space<vmem>> -> memref<128xi32, #tpu.memory_space<vmem>>
    %dma_wait3A_162 = arith.constant 0 : i32
    %dma_wait3A_163 = arith.constant 0 : i32
    %dma_wait3A_164 = tpu.memref_slice %arg2[%dma_wait3A_162, %dma_wait3A_163] : memref<1000000x64xf32, #tpu.memory_space<hbm>> -> memref<1000000x64xf32, #tpu.memory_space<hbm>>
    tpu.wait_indirect_dma semaphore(%arg12 : memref<!tpu.dma_semaphore, #tpu.memory_space<semaphore_mem>>) src(%dma_wait3A_164 : memref<1000000x64xf32, #tpu.memory_space<hbm>>) dst(%dma_wait3A_158 : memref<128x64xf32, #tpu.memory_space<vmem>>)
    %dma_wait3A_165 = arith.constant 1 : i32
    %dma_wait3A_166 = arith.constant 128 : i32
    %dma_wait3A_167 = arith.constant 0 : i32
    %dma_wait3A_168 = tpu.memref_slice %arg8[%dma_wait3A_166, %dma_wait3A_167] : memref<512x64xf32, #tpu.memory_space<vmem>> -> memref<128x64xf32, #tpu.memory_space<vmem>>
    %dma_wait3A_169 = arith.constant 0 : i32
    %dma_wait3A_170 = tpu.memref_slice %arg6[%dma_wait3A_165, %dma_wait3A_169] : memref<4x128xi32, #tpu.memory_space<vmem>> -> memref<1x128xi32, #tpu.memory_space<vmem>>
    %dma_wait3A_171 = tpu.memref_squeeze %dma_wait3A_170 : memref<1x128xi32, #tpu.memory_space<vmem>> -> memref<128xi32, #tpu.memory_space<vmem>>
    %dma_wait3A_172 = arith.constant 0 : i32
    %dma_wait3A_173 = arith.constant 0 : i32
    %dma_wait3A_174 = tpu.memref_slice %arg2[%dma_wait3A_172, %dma_wait3A_173] : memref<1000000x64xf32, #tpu.memory_space<hbm>> -> memref<1000000x64xf32, #tpu.memory_space<hbm>>
    tpu.wait_indirect_dma semaphore(%arg12 : memref<!tpu.dma_semaphore, #tpu.memory_space<semaphore_mem>>) src(%dma_wait3A_174 : memref<1000000x64xf32, #tpu.memory_space<hbm>>) dst(%dma_wait3A_168 : memref<128x64xf32, #tpu.memory_space<vmem>>)
    %dma_wait3A_175 = arith.constant 2 : i32
    %dma_wait3A_176 = arith.constant 256 : i32
    %dma_wait3A_177 = arith.constant 0 : i32
    %dma_wait3A_178 = tpu.memref_slice %arg8[%dma_wait3A_176, %dma_wait3A_177] : memref<512x64xf32, #tpu.memory_space<vmem>> -> memref<128x64xf32, #tpu.memory_space<vmem>>
    %dma_wait3A_179 = arith.constant 0 : i32
    %dma_wait3A_180 = tpu.memref_slice %arg6[%dma_wait3A_175, %dma_wait3A_179] : memref<4x128xi32, #tpu.memory_space<vmem>> -> memref<1x128xi32, #tpu.memory_space<vmem>>
    %dma_wait3A_181 = tpu.memref_squeeze %dma_wait3A_180 : memref<1x128xi32, #tpu.memory_space<vmem>> -> memref<128xi32, #tpu.memory_space<vmem>>
    %dma_wait3A_182 = arith.constant 0 : i32
    %dma_wait3A_183 = arith.constant 0 : i32
    %dma_wait3A_184 = tpu.memref_slice %arg2[%dma_wait3A_182, %dma_wait3A_183] : memref<1000000x64xf32, #tpu.memory_space<hbm>> -> memref<1000000x64xf32, #tpu.memory_space<hbm>>
    tpu.wait_indirect_dma semaphore(%arg12 : memref<!tpu.dma_semaphore, #tpu.memory_space<semaphore_mem>>) src(%dma_wait3A_184 : memref<1000000x64xf32, #tpu.memory_space<hbm>>) dst(%dma_wait3A_178 : memref<128x64xf32, #tpu.memory_space<vmem>>)
    %dma_wait3A_185 = arith.constant 3 : i32
    %dma_wait3A_186 = arith.constant 384 : i32
    %dma_wait3A_187 = arith.constant 0 : i32
    %dma_wait3A_188 = tpu.memref_slice %arg8[%dma_wait3A_186, %dma_wait3A_187] : memref<512x64xf32, #tpu.memory_space<vmem>> -> memref<128x64xf32, #tpu.memory_space<vmem>>
    %dma_wait3A_189 = arith.constant 0 : i32
    %dma_wait3A_190 = tpu.memref_slice %arg6[%dma_wait3A_185, %dma_wait3A_189] : memref<4x128xi32, #tpu.memory_space<vmem>> -> memref<1x128xi32, #tpu.memory_space<vmem>>
    %dma_wait3A_191 = tpu.memref_squeeze %dma_wait3A_190 : memref<1x128xi32, #tpu.memory_space<vmem>> -> memref<128xi32, #tpu.memory_space<vmem>>
    %dma_wait3A_192 = arith.constant 0 : i32
    %dma_wait3A_193 = arith.constant 0 : i32
    %dma_wait3A_194 = tpu.memref_slice %arg2[%dma_wait3A_192, %dma_wait3A_193] : memref<1000000x64xf32, #tpu.memory_space<hbm>> -> memref<1000000x64xf32, #tpu.memory_space<hbm>>
    tpu.wait_indirect_dma semaphore(%arg12 : memref<!tpu.dma_semaphore, #tpu.memory_space<semaphore_mem>>) src(%dma_wait3A_194 : memref<1000000x64xf32, #tpu.memory_space<hbm>>) dst(%dma_wait3A_188 : memref<128x64xf32, #tpu.memory_space<vmem>>)
    %add3A_195 = arith.constant 8 : i32
    %add3A_196 = arith.addi %add3A_108, %add3A_195 : i32
    %dma_start3A_197 = arith.constant 0 : i32
    %dma_start3A_198 = tpu.memref_slice %arg3[%add3A_196, %dma_start3A_197] : memref<6400x128xi32, #tpu.memory_space<hbm>> -> memref<4x128xi32, #tpu.memory_space<hbm>>
    %dma_start3A_199 = arith.constant 0 : i32
    %dma_start3A_200 = tpu.memref_slice %arg3[%add3A_196, %dma_start3A_199] : memref<6400x128xi32, #tpu.memory_space<hbm>> -> memref<4x128xi32, #tpu.memory_space<hbm>>
    tpu.enqueue_dma source(%dma_start3A_200 : memref<4x128xi32, #tpu.memory_space<hbm>>) target(%arg6 : memref<4x128xi32, #tpu.memory_space<vmem>>) target_semaphore(%arg10 : memref<!tpu.dma_semaphore, #tpu.memory_space<semaphore_mem>>)
    %dma_start3A_201 = arith.constant 0 : i32
    %dma_start3A_202 = tpu.memref_slice %arg4[%mul3A_110, %dma_start3A_201] : memref<819200x128xf32, #tpu.memory_space<hbm>> -> memref<512x64xf32, #tpu.memory_space<hbm>>
    %dma_start3A_203 = arith.constant 0 : i32
    %dma_start3A_204 = tpu.memref_slice %arg4[%mul3A_110, %dma_start3A_203] : memref<819200x128xf32, #tpu.memory_space<hbm>> -> memref<512x64xf32, #tpu.memory_space<hbm>>
    tpu.enqueue_dma source(%arg8 : memref<512x64xf32, #tpu.memory_space<vmem>>) target(%dma_start3A_204 : memref<512x64xf32, #tpu.memory_space<hbm>>) target_semaphore(%arg14 : memref<!tpu.dma_semaphore, #tpu.memory_space<semaphore_mem>>)
    %scan3A = arith.constant 1 : i32
    %scan3A_205 = arith.constant 23 : i32
    %scan3A_206 = arith.addi %scan3A, %scan3A_205 : i32
    %scan3A_207 = arith.constant 1 : i32
    scf.for %scan3A_413 = %scan3A to %scan3A_206 step %scan3A_207  : i32 {
      %mul3A_414 = arith.constant 2 : i32
      %mul3A_415 = arith.muli %mul3A_414, %scan3A_413 : i32
      %mul3A_416 = arith.constant 4 : i32
      %mul3A_417 = arith.muli %mul3A_415, %mul3A_416 : i32
      %add3A_418 = arith.addi %mul3A_2, %mul3A_417 : i32
      %mul3A_419 = arith.constant 128 : i32
      %mul3A_420 = arith.muli %add3A_418, %mul3A_419 : i32
      %dma_wait3A_421 = arith.constant 0 : i32
      %dma_wait3A_422 = tpu.memref_slice %arg3[%add3A_418, %dma_wait3A_421] : memref<6400x128xi32, #tpu.memory_space<hbm>> -> memref<4x128xi32, #tpu.memory_space<hbm>>
      %dma_wait3A_423 = arith.constant 0 : i32
      %dma_wait3A_424 = tpu.memref_slice %arg3[%add3A_418, %dma_wait3A_423] : memref<6400x128xi32, #tpu.memory_space<hbm>> -> memref<4x128xi32, #tpu.memory_space<hbm>>
      tpu.wait_dma2 semaphore(%arg9 : memref<!tpu.dma_semaphore, #tpu.memory_space<semaphore_mem>>) src(%dma_wait3A_424 : memref<4x128xi32, #tpu.memory_space<hbm>>) dst(%arg5 : memref<4x128xi32, #tpu.memory_space<vmem>>)
      %dma_wait3A_425 = arith.constant 0 : i32
      %dma_wait3A_426 = tpu.memref_slice %arg4[%mul3A_420, %dma_wait3A_425] : memref<819200x128xf32, #tpu.memory_space<hbm>> -> memref<512x64xf32, #tpu.memory_space<hbm>>
      %dma_wait3A_427 = arith.constant 0 : i32
      %dma_wait3A_428 = tpu.memref_slice %arg4[%mul3A_420, %dma_wait3A_427] : memref<819200x128xf32, #tpu.memory_space<hbm>> -> memref<512x64xf32, #tpu.memory_space<hbm>>
      tpu.wait_dma2 semaphore(%arg13 : memref<!tpu.dma_semaphore, #tpu.memory_space<semaphore_mem>>) src(%arg7 : memref<512x64xf32, #tpu.memory_space<vmem>>) dst(%dma_wait3A_428 : memref<512x64xf32, #tpu.memory_space<hbm>>)
      %dma_start3A_429 = arith.constant 0 : i32
      %dma_start3A_430 = arith.constant 0 : i32
      %dma_start3A_431 = arith.constant 0 : i32
      %dma_start3A_432 = tpu.memref_slice %arg7[%dma_start3A_430, %dma_start3A_431] : memref<512x64xf32, #tpu.memory_space<vmem>> -> memref<128x64xf32, #tpu.memory_space<vmem>>
      %dma_start3A_433 = arith.constant 0 : i32
      %dma_start3A_434 = tpu.memref_slice %arg5[%dma_start3A_429, %dma_start3A_433] : memref<4x128xi32, #tpu.memory_space<vmem>> -> memref<1x128xi32, #tpu.memory_space<vmem>>
      %dma_start3A_435 = tpu.memref_squeeze %dma_start3A_434 : memref<1x128xi32, #tpu.memory_space<vmem>> -> memref<128xi32, #tpu.memory_space<vmem>>
      %dma_start3A_436 = arith.constant 0 : i32
      %dma_start3A_437 = arith.constant 0 : i32
      %dma_start3A_438 = tpu.memref_slice %arg2[%dma_start3A_436, %dma_start3A_437] : memref<1000000x64xf32, #tpu.memory_space<hbm>> -> memref<1000000x64xf32, #tpu.memory_space<hbm>>
      tpu.enqueue_indirect_dma source(%dma_start3A_438 : memref<1000000x64xf32, #tpu.memory_space<hbm>>) target(%dma_start3A_432 : memref<128x64xf32, #tpu.memory_space<vmem>>) offsets(%dma_start3A_435 : memref<128xi32, #tpu.memory_space<vmem>>) semaphore(%arg11 : memref<!tpu.dma_semaphore, #tpu.memory_space<semaphore_mem>>)
      %dma_start3A_439 = arith.constant 1 : i32
      %dma_start3A_440 = arith.constant 128 : i32
      %dma_start3A_441 = arith.constant 0 : i32
      %dma_start3A_442 = tpu.memref_slice %arg7[%dma_start3A_440, %dma_start3A_441] : memref<512x64xf32, #tpu.memory_space<vmem>> -> memref<128x64xf32, #tpu.memory_space<vmem>>
      %dma_start3A_443 = arith.constant 0 : i32
      %dma_start3A_444 = tpu.memref_slice %arg5[%dma_start3A_439, %dma_start3A_443] : memref<4x128xi32, #tpu.memory_space<vmem>> -> memref<1x128xi32, #tpu.memory_space<vmem>>
      %dma_start3A_445 = tpu.memref_squeeze %dma_start3A_444 : memref<1x128xi32, #tpu.memory_space<vmem>> -> memref<128xi32, #tpu.memory_space<vmem>>
      %dma_start3A_446 = arith.constant 0 : i32
      %dma_start3A_447 = arith.constant 0 : i32
      %dma_start3A_448 = tpu.memref_slice %arg2[%dma_start3A_446, %dma_start3A_447] : memref<1000000x64xf32, #tpu.memory_space<hbm>> -> memref<1000000x64xf32, #tpu.memory_space<hbm>>
      tpu.enqueue_indirect_dma source(%dma_start3A_448 : memref<1000000x64xf32, #tpu.memory_space<hbm>>) target(%dma_start3A_442 : memref<128x64xf32, #tpu.memory_space<vmem>>) offsets(%dma_start3A_445 : memref<128xi32, #tpu.memory_space<vmem>>) semaphore(%arg11 : memref<!tpu.dma_semaphore, #tpu.memory_space<semaphore_mem>>)
      %dma_start3A_449 = arith.constant 2 : i32
      %dma_start3A_450 = arith.constant 256 : i32
      %dma_start3A_451 = arith.constant 0 : i32
      %dma_start3A_452 = tpu.memref_slice %arg7[%dma_start3A_450, %dma_start3A_451] : memref<512x64xf32, #tpu.memory_space<vmem>> -> memref<128x64xf32, #tpu.memory_space<vmem>>
      %dma_start3A_453 = arith.constant 0 : i32
      %dma_start3A_454 = tpu.memref_slice %arg5[%dma_start3A_449, %dma_start3A_453] : memref<4x128xi32, #tpu.memory_space<vmem>> -> memref<1x128xi32, #tpu.memory_space<vmem>>
      %dma_start3A_455 = tpu.memref_squeeze %dma_start3A_454 : memref<1x128xi32, #tpu.memory_space<vmem>> -> memref<128xi32, #tpu.memory_space<vmem>>
      %dma_start3A_456 = arith.constant 0 : i32
      %dma_start3A_457 = arith.constant 0 : i32
      %dma_start3A_458 = tpu.memref_slice %arg2[%dma_start3A_456, %dma_start3A_457] : memref<1000000x64xf32, #tpu.memory_space<hbm>> -> memref<1000000x64xf32, #tpu.memory_space<hbm>>
      tpu.enqueue_indirect_dma source(%dma_start3A_458 : memref<1000000x64xf32, #tpu.memory_space<hbm>>) target(%dma_start3A_452 : memref<128x64xf32, #tpu.memory_space<vmem>>) offsets(%dma_start3A_455 : memref<128xi32, #tpu.memory_space<vmem>>) semaphore(%arg11 : memref<!tpu.dma_semaphore, #tpu.memory_space<semaphore_mem>>)
      %dma_start3A_459 = arith.constant 3 : i32
      %dma_start3A_460 = arith.constant 384 : i32
      %dma_start3A_461 = arith.constant 0 : i32
      %dma_start3A_462 = tpu.memref_slice %arg7[%dma_start3A_460, %dma_start3A_461] : memref<512x64xf32, #tpu.memory_space<vmem>> -> memref<128x64xf32, #tpu.memory_space<vmem>>
      %dma_start3A_463 = arith.constant 0 : i32
      %dma_start3A_464 = tpu.memref_slice %arg5[%dma_start3A_459, %dma_start3A_463] : memref<4x128xi32, #tpu.memory_space<vmem>> -> memref<1x128xi32, #tpu.memory_space<vmem>>
      %dma_start3A_465 = tpu.memref_squeeze %dma_start3A_464 : memref<1x128xi32, #tpu.memory_space<vmem>> -> memref<128xi32, #tpu.memory_space<vmem>>
      %dma_start3A_466 = arith.constant 0 : i32
      %dma_start3A_467 = arith.constant 0 : i32
      %dma_start3A_468 = tpu.memref_slice %arg2[%dma_start3A_466, %dma_start3A_467] : memref<1000000x64xf32, #tpu.memory_space<hbm>> -> memref<1000000x64xf32, #tpu.memory_space<hbm>>
      tpu.enqueue_indirect_dma source(%dma_start3A_468 : memref<1000000x64xf32, #tpu.memory_space<hbm>>) target(%dma_start3A_462 : memref<128x64xf32, #tpu.memory_space<vmem>>) offsets(%dma_start3A_465 : memref<128xi32, #tpu.memory_space<vmem>>) semaphore(%arg11 : memref<!tpu.dma_semaphore, #tpu.memory_space<semaphore_mem>>)
      %dma_wait3A_469 = arith.constant 0 : i32
      %dma_wait3A_470 = arith.constant 0 : i32
      %dma_wait3A_471 = arith.constant 0 : i32
      %dma_wait3A_472 = tpu.memref_slice %arg7[%dma_wait3A_470, %dma_wait3A_471] : memref<512x64xf32, #tpu.memory_space<vmem>> -> memref<128x64xf32, #tpu.memory_space<vmem>>
      %dma_wait3A_473 = arith.constant 0 : i32
      %dma_wait3A_474 = tpu.memref_slice %arg5[%dma_wait3A_469, %dma_wait3A_473] : memref<4x128xi32, #tpu.memory_space<vmem>> -> memref<1x128xi32, #tpu.memory_space<vmem>>
      %dma_wait3A_475 = tpu.memref_squeeze %dma_wait3A_474 : memref<1x128xi32, #tpu.memory_space<vmem>> -> memref<128xi32, #tpu.memory_space<vmem>>
      %dma_wait3A_476 = arith.constant 0 : i32
      %dma_wait3A_477 = arith.constant 0 : i32
      %dma_wait3A_478 = tpu.memref_slice %arg2[%dma_wait3A_476, %dma_wait3A_477] : memref<1000000x64xf32, #tpu.memory_space<hbm>> -> memref<1000000x64xf32, #tpu.memory_space<hbm>>
      tpu.wait_indirect_dma semaphore(%arg11 : memref<!tpu.dma_semaphore, #tpu.memory_space<semaphore_mem>>) src(%dma_wait3A_478 : memref<1000000x64xf32, #tpu.memory_space<hbm>>) dst(%dma_wait3A_472 : memref<128x64xf32, #tpu.memory_space<vmem>>)
      %dma_wait3A_479 = arith.constant 1 : i32
      %dma_wait3A_480 = arith.constant 128 : i32
      %dma_wait3A_481 = arith.constant 0 : i32
      %dma_wait3A_482 = tpu.memref_slice %arg7[%dma_wait3A_480, %dma_wait3A_481] : memref<512x64xf32, #tpu.memory_space<vmem>> -> memref<128x64xf32, #tpu.memory_space<vmem>>
      %dma_wait3A_483 = arith.constant 0 : i32
      %dma_wait3A_484 = tpu.memref_slice %arg5[%dma_wait3A_479, %dma_wait3A_483] : memref<4x128xi32, #tpu.memory_space<vmem>> -> memref<1x128xi32, #tpu.memory_space<vmem>>
      %dma_wait3A_485 = tpu.memref_squeeze %dma_wait3A_484 : memref<1x128xi32, #tpu.memory_space<vmem>> -> memref<128xi32, #tpu.memory_space<vmem>>
      %dma_wait3A_486 = arith.constant 0 : i32
      %dma_wait3A_487 = arith.constant 0 : i32
      %dma_wait3A_488 = tpu.memref_slice %arg2[%dma_wait3A_486, %dma_wait3A_487] : memref<1000000x64xf32, #tpu.memory_space<hbm>> -> memref<1000000x64xf32, #tpu.memory_space<hbm>>
      tpu.wait_indirect_dma semaphore(%arg11 : memref<!tpu.dma_semaphore, #tpu.memory_space<semaphore_mem>>) src(%dma_wait3A_488 : memref<1000000x64xf32, #tpu.memory_space<hbm>>) dst(%dma_wait3A_482 : memref<128x64xf32, #tpu.memory_space<vmem>>)
      %dma_wait3A_489 = arith.constant 2 : i32
      %dma_wait3A_490 = arith.constant 256 : i32
      %dma_wait3A_491 = arith.constant 0 : i32
      %dma_wait3A_492 = tpu.memref_slice %arg7[%dma_wait3A_490, %dma_wait3A_491] : memref<512x64xf32, #tpu.memory_space<vmem>> -> memref<128x64xf32, #tpu.memory_space<vmem>>
      %dma_wait3A_493 = arith.constant 0 : i32
      %dma_wait3A_494 = tpu.memref_slice %arg5[%dma_wait3A_489, %dma_wait3A_493] : memref<4x128xi32, #tpu.memory_space<vmem>> -> memref<1x128xi32, #tpu.memory_space<vmem>>
      %dma_wait3A_495 = tpu.memref_squeeze %dma_wait3A_494 : memref<1x128xi32, #tpu.memory_space<vmem>> -> memref<128xi32, #tpu.memory_space<vmem>>
      %dma_wait3A_496 = arith.constant 0 : i32
      %dma_wait3A_497 = arith.constant 0 : i32
      %dma_wait3A_498 = tpu.memref_slice %arg2[%dma_wait3A_496, %dma_wait3A_497] : memref<1000000x64xf32, #tpu.memory_space<hbm>> -> memref<1000000x64xf32, #tpu.memory_space<hbm>>
      tpu.wait_indirect_dma semaphore(%arg11 : memref<!tpu.dma_semaphore, #tpu.memory_space<semaphore_mem>>) src(%dma_wait3A_498 : memref<1000000x64xf32, #tpu.memory_space<hbm>>) dst(%dma_wait3A_492 : memref<128x64xf32, #tpu.memory_space<vmem>>)
      %dma_wait3A_499 = arith.constant 3 : i32
      %dma_wait3A_500 = arith.constant 384 : i32
      %dma_wait3A_501 = arith.constant 0 : i32
      %dma_wait3A_502 = tpu.memref_slice %arg7[%dma_wait3A_500, %dma_wait3A_501] : memref<512x64xf32, #tpu.memory_space<vmem>> -> memref<128x64xf32, #tpu.memory_space<vmem>>
      %dma_wait3A_503 = arith.constant 0 : i32
      %dma_wait3A_504 = tpu.memref_slice %arg5[%dma_wait3A_499, %dma_wait3A_503] : memref<4x128xi32, #tpu.memory_space<vmem>> -> memref<1x128xi32, #tpu.memory_space<vmem>>
      %dma_wait3A_505 = tpu.memref_squeeze %dma_wait3A_504 : memref<1x128xi32, #tpu.memory_space<vmem>> -> memref<128xi32, #tpu.memory_space<vmem>>
      %dma_wait3A_506 = arith.constant 0 : i32
      %dma_wait3A_507 = arith.constant 0 : i32
      %dma_wait3A_508 = tpu.memref_slice %arg2[%dma_wait3A_506, %dma_wait3A_507] : memref<1000000x64xf32, #tpu.memory_space<hbm>> -> memref<1000000x64xf32, #tpu.memory_space<hbm>>
      tpu.wait_indirect_dma semaphore(%arg11 : memref<!tpu.dma_semaphore, #tpu.memory_space<semaphore_mem>>) src(%dma_wait3A_508 : memref<1000000x64xf32, #tpu.memory_space<hbm>>) dst(%dma_wait3A_502 : memref<128x64xf32, #tpu.memory_space<vmem>>)
      %add3A_509 = arith.constant 8 : i32
      %add3A_510 = arith.addi %add3A_418, %add3A_509 : i32
      %dma_start3A_511 = arith.constant 0 : i32
      %dma_start3A_512 = tpu.memref_slice %arg3[%add3A_510, %dma_start3A_511] : memref<6400x128xi32, #tpu.memory_space<hbm>> -> memref<4x128xi32, #tpu.memory_space<hbm>>
      %dma_start3A_513 = arith.constant 0 : i32
      %dma_start3A_514 = tpu.memref_slice %arg3[%add3A_510, %dma_start3A_513] : memref<6400x128xi32, #tpu.memory_space<hbm>> -> memref<4x128xi32, #tpu.memory_space<hbm>>
      tpu.enqueue_dma source(%dma_start3A_514 : memref<4x128xi32, #tpu.memory_space<hbm>>) target(%arg5 : memref<4x128xi32, #tpu.memory_space<vmem>>) target_semaphore(%arg9 : memref<!tpu.dma_semaphore, #tpu.memory_space<semaphore_mem>>)
      %dma_start3A_515 = arith.constant 0 : i32
      %dma_start3A_516 = tpu.memref_slice %arg4[%mul3A_420, %dma_start3A_515] : memref<819200x128xf32, #tpu.memory_space<hbm>> -> memref<512x64xf32, #tpu.memory_space<hbm>>
      %dma_start3A_517 = arith.constant 0 : i32
      %dma_start3A_518 = tpu.memref_slice %arg4[%mul3A_420, %dma_start3A_517] : memref<819200x128xf32, #tpu.memory_space<hbm>> -> memref<512x64xf32, #tpu.memory_space<hbm>>
      tpu.enqueue_dma source(%arg7 : memref<512x64xf32, #tpu.memory_space<vmem>>) target(%dma_start3A_518 : memref<512x64xf32, #tpu.memory_space<hbm>>) target_semaphore(%arg13 : memref<!tpu.dma_semaphore, #tpu.memory_space<semaphore_mem>>)
      %add3A_519 = arith.constant 4 : i32
      %add3A_520 = arith.addi %add3A_418, %add3A_519 : i32
      %mul3A_521 = arith.constant 128 : i32
      %mul3A_522 = arith.muli %add3A_520, %mul3A_521 : i32
      %dma_wait3A_523 = arith.constant 0 : i32
      %dma_wait3A_524 = tpu.memref_slice %arg3[%add3A_520, %dma_wait3A_523] : memref<6400x128xi32, #tpu.memory_space<hbm>> -> memref<4x128xi32, #tpu.memory_space<hbm>>
      %dma_wait3A_525 = arith.constant 0 : i32
      %dma_wait3A_526 = tpu.memref_slice %arg3[%add3A_520, %dma_wait3A_525] : memref<6400x128xi32, #tpu.memory_space<hbm>> -> memref<4x128xi32, #tpu.memory_space<hbm>>
      tpu.wait_dma2 semaphore(%arg10 : memref<!tpu.dma_semaphore, #tpu.memory_space<semaphore_mem>>) src(%dma_wait3A_526 : memref<4x128xi32, #tpu.memory_space<hbm>>) dst(%arg6 : memref<4x128xi32, #tpu.memory_space<vmem>>)
      %dma_wait3A_527 = arith.constant 0 : i32
      %dma_wait3A_528 = tpu.memref_slice %arg4[%mul3A_522, %dma_wait3A_527] : memref<819200x128xf32, #tpu.memory_space<hbm>> -> memref<512x64xf32, #tpu.memory_space<hbm>>
      %dma_wait3A_529 = arith.constant 0 : i32
      %dma_wait3A_530 = tpu.memref_slice %arg4[%mul3A_522, %dma_wait3A_529] : memref<819200x128xf32, #tpu.memory_space<hbm>> -> memref<512x64xf32, #tpu.memory_space<hbm>>
      tpu.wait_dma2 semaphore(%arg14 : memref<!tpu.dma_semaphore, #tpu.memory_space<semaphore_mem>>) src(%arg8 : memref<512x64xf32, #tpu.memory_space<vmem>>) dst(%dma_wait3A_530 : memref<512x64xf32, #tpu.memory_space<hbm>>)
      %dma_start3A_531 = arith.constant 0 : i32
      %dma_start3A_532 = arith.constant 0 : i32
      %dma_start3A_533 = arith.constant 0 : i32
      %dma_start3A_534 = tpu.memref_slice %arg8[%dma_start3A_532, %dma_start3A_533] : memref<512x64xf32, #tpu.memory_space<vmem>> -> memref<128x64xf32, #tpu.memory_space<vmem>>
      %dma_start3A_535 = arith.constant 0 : i32
      %dma_start3A_536 = tpu.memref_slice %arg6[%dma_start3A_531, %dma_start3A_535] : memref<4x128xi32, #tpu.memory_space<vmem>> -> memref<1x128xi32, #tpu.memory_space<vmem>>
      %dma_start3A_537 = tpu.memref_squeeze %dma_start3A_536 : memref<1x128xi32, #tpu.memory_space<vmem>> -> memref<128xi32, #tpu.memory_space<vmem>>
      %dma_start3A_538 = arith.constant 0 : i32
      %dma_start3A_539 = arith.constant 0 : i32
      %dma_start3A_540 = tpu.memref_slice %arg2[%dma_start3A_538, %dma_start3A_539] : memref<1000000x64xf32, #tpu.memory_space<hbm>> -> memref<1000000x64xf32, #tpu.memory_space<hbm>>
      tpu.enqueue_indirect_dma source(%dma_start3A_540 : memref<1000000x64xf32, #tpu.memory_space<hbm>>) target(%dma_start3A_534 : memref<128x64xf32, #tpu.memory_space<vmem>>) offsets(%dma_start3A_537 : memref<128xi32, #tpu.memory_space<vmem>>) semaphore(%arg12 : memref<!tpu.dma_semaphore, #tpu.memory_space<semaphore_mem>>)
      %dma_start3A_541 = arith.constant 1 : i32
      %dma_start3A_542 = arith.constant 128 : i32
      %dma_start3A_543 = arith.constant 0 : i32
      %dma_start3A_544 = tpu.memref_slice %arg8[%dma_start3A_542, %dma_start3A_543] : memref<512x64xf32, #tpu.memory_space<vmem>> -> memref<128x64xf32, #tpu.memory_space<vmem>>
      %dma_start3A_545 = arith.constant 0 : i32
      %dma_start3A_546 = tpu.memref_slice %arg6[%dma_start3A_541, %dma_start3A_545] : memref<4x128xi32, #tpu.memory_space<vmem>> -> memref<1x128xi32, #tpu.memory_space<vmem>>
      %dma_start3A_547 = tpu.memref_squeeze %dma_start3A_546 : memref<1x128xi32, #tpu.memory_space<vmem>> -> memref<128xi32, #tpu.memory_space<vmem>>
      %dma_start3A_548 = arith.constant 0 : i32
      %dma_start3A_549 = arith.constant 0 : i32
      %dma_start3A_550 = tpu.memref_slice %arg2[%dma_start3A_548, %dma_start3A_549] : memref<1000000x64xf32, #tpu.memory_space<hbm>> -> memref<1000000x64xf32, #tpu.memory_space<hbm>>
      tpu.enqueue_indirect_dma source(%dma_start3A_550 : memref<1000000x64xf32, #tpu.memory_space<hbm>>) target(%dma_start3A_544 : memref<128x64xf32, #tpu.memory_space<vmem>>) offsets(%dma_start3A_547 : memref<128xi32, #tpu.memory_space<vmem>>) semaphore(%arg12 : memref<!tpu.dma_semaphore, #tpu.memory_space<semaphore_mem>>)
      %dma_start3A_551 = arith.constant 2 : i32
      %dma_start3A_552 = arith.constant 256 : i32
      %dma_start3A_553 = arith.constant 0 : i32
      %dma_start3A_554 = tpu.memref_slice %arg8[%dma_start3A_552, %dma_start3A_553] : memref<512x64xf32, #tpu.memory_space<vmem>> -> memref<128x64xf32, #tpu.memory_space<vmem>>
      %dma_start3A_555 = arith.constant 0 : i32
      %dma_start3A_556 = tpu.memref_slice %arg6[%dma_start3A_551, %dma_start3A_555] : memref<4x128xi32, #tpu.memory_space<vmem>> -> memref<1x128xi32, #tpu.memory_space<vmem>>
      %dma_start3A_557 = tpu.memref_squeeze %dma_start3A_556 : memref<1x128xi32, #tpu.memory_space<vmem>> -> memref<128xi32, #tpu.memory_space<vmem>>
      %dma_start3A_558 = arith.constant 0 : i32
      %dma_start3A_559 = arith.constant 0 : i32
      %dma_start3A_560 = tpu.memref_slice %arg2[%dma_start3A_558, %dma_start3A_559] : memref<1000000x64xf32, #tpu.memory_space<hbm>> -> memref<1000000x64xf32, #tpu.memory_space<hbm>>
      tpu.enqueue_indirect_dma source(%dma_start3A_560 : memref<1000000x64xf32, #tpu.memory_space<hbm>>) target(%dma_start3A_554 : memref<128x64xf32, #tpu.memory_space<vmem>>) offsets(%dma_start3A_557 : memref<128xi32, #tpu.memory_space<vmem>>) semaphore(%arg12 : memref<!tpu.dma_semaphore, #tpu.memory_space<semaphore_mem>>)
      %dma_start3A_561 = arith.constant 3 : i32
      %dma_start3A_562 = arith.constant 384 : i32
      %dma_start3A_563 = arith.constant 0 : i32
      %dma_start3A_564 = tpu.memref_slice %arg8[%dma_start3A_562, %dma_start3A_563] : memref<512x64xf32, #tpu.memory_space<vmem>> -> memref<128x64xf32, #tpu.memory_space<vmem>>
      %dma_start3A_565 = arith.constant 0 : i32
      %dma_start3A_566 = tpu.memref_slice %arg6[%dma_start3A_561, %dma_start3A_565] : memref<4x128xi32, #tpu.memory_space<vmem>> -> memref<1x128xi32, #tpu.memory_space<vmem>>
      %dma_start3A_567 = tpu.memref_squeeze %dma_start3A_566 : memref<1x128xi32, #tpu.memory_space<vmem>> -> memref<128xi32, #tpu.memory_space<vmem>>
      %dma_start3A_568 = arith.constant 0 : i32
      %dma_start3A_569 = arith.constant 0 : i32
      %dma_start3A_570 = tpu.memref_slice %arg2[%dma_start3A_568, %dma_start3A_569] : memref<1000000x64xf32, #tpu.memory_space<hbm>> -> memref<1000000x64xf32, #tpu.memory_space<hbm>>
      tpu.enqueue_indirect_dma source(%dma_start3A_570 : memref<1000000x64xf32, #tpu.memory_space<hbm>>) target(%dma_start3A_564 : memref<128x64xf32, #tpu.memory_space<vmem>>) offsets(%dma_start3A_567 : memref<128xi32, #tpu.memory_space<vmem>>) semaphore(%arg12 : memref<!tpu.dma_semaphore, #tpu.memory_space<semaphore_mem>>)
      %dma_wait3A_571 = arith.constant 0 : i32
      %dma_wait3A_572 = arith.constant 0 : i32
      %dma_wait3A_573 = arith.constant 0 : i32
      %dma_wait3A_574 = tpu.memref_slice %arg8[%dma_wait3A_572, %dma_wait3A_573] : memref<512x64xf32, #tpu.memory_space<vmem>> -> memref<128x64xf32, #tpu.memory_space<vmem>>
      %dma_wait3A_575 = arith.constant 0 : i32
      %dma_wait3A_576 = tpu.memref_slice %arg6[%dma_wait3A_571, %dma_wait3A_575] : memref<4x128xi32, #tpu.memory_space<vmem>> -> memref<1x128xi32, #tpu.memory_space<vmem>>
      %dma_wait3A_577 = tpu.memref_squeeze %dma_wait3A_576 : memref<1x128xi32, #tpu.memory_space<vmem>> -> memref<128xi32, #tpu.memory_space<vmem>>
      %dma_wait3A_578 = arith.constant 0 : i32
      %dma_wait3A_579 = arith.constant 0 : i32
      %dma_wait3A_580 = tpu.memref_slice %arg2[%dma_wait3A_578, %dma_wait3A_579] : memref<1000000x64xf32, #tpu.memory_space<hbm>> -> memref<1000000x64xf32, #tpu.memory_space<hbm>>
      tpu.wait_indirect_dma semaphore(%arg12 : memref<!tpu.dma_semaphore, #tpu.memory_space<semaphore_mem>>) src(%dma_wait3A_580 : memref<1000000x64xf32, #tpu.memory_space<hbm>>) dst(%dma_wait3A_574 : memref<128x64xf32, #tpu.memory_space<vmem>>)
      %dma_wait3A_581 = arith.constant 1 : i32
      %dma_wait3A_582 = arith.constant 128 : i32
      %dma_wait3A_583 = arith.constant 0 : i32
      %dma_wait3A_584 = tpu.memref_slice %arg8[%dma_wait3A_582, %dma_wait3A_583] : memref<512x64xf32, #tpu.memory_space<vmem>> -> memref<128x64xf32, #tpu.memory_space<vmem>>
      %dma_wait3A_585 = arith.constant 0 : i32
      %dma_wait3A_586 = tpu.memref_slice %arg6[%dma_wait3A_581, %dma_wait3A_585] : memref<4x128xi32, #tpu.memory_space<vmem>> -> memref<1x128xi32, #tpu.memory_space<vmem>>
      %dma_wait3A_587 = tpu.memref_squeeze %dma_wait3A_586 : memref<1x128xi32, #tpu.memory_space<vmem>> -> memref<128xi32, #tpu.memory_space<vmem>>
      %dma_wait3A_588 = arith.constant 0 : i32
      %dma_wait3A_589 = arith.constant 0 : i32
      %dma_wait3A_590 = tpu.memref_slice %arg2[%dma_wait3A_588, %dma_wait3A_589] : memref<1000000x64xf32, #tpu.memory_space<hbm>> -> memref<1000000x64xf32, #tpu.memory_space<hbm>>
      tpu.wait_indirect_dma semaphore(%arg12 : memref<!tpu.dma_semaphore, #tpu.memory_space<semaphore_mem>>) src(%dma_wait3A_590 : memref<1000000x64xf32, #tpu.memory_space<hbm>>) dst(%dma_wait3A_584 : memref<128x64xf32, #tpu.memory_space<vmem>>)
      %dma_wait3A_591 = arith.constant 2 : i32
      %dma_wait3A_592 = arith.constant 256 : i32
      %dma_wait3A_593 = arith.constant 0 : i32
      %dma_wait3A_594 = tpu.memref_slice %arg8[%dma_wait3A_592, %dma_wait3A_593] : memref<512x64xf32, #tpu.memory_space<vmem>> -> memref<128x64xf32, #tpu.memory_space<vmem>>
      %dma_wait3A_595 = arith.constant 0 : i32
      %dma_wait3A_596 = tpu.memref_slice %arg6[%dma_wait3A_591, %dma_wait3A_595] : memref<4x128xi32, #tpu.memory_space<vmem>> -> memref<1x128xi32, #tpu.memory_space<vmem>>
      %dma_wait3A_597 = tpu.memref_squeeze %dma_wait3A_596 : memref<1x128xi32, #tpu.memory_space<vmem>> -> memref<128xi32, #tpu.memory_space<vmem>>
      %dma_wait3A_598 = arith.constant 0 : i32
      %dma_wait3A_599 = arith.constant 0 : i32
      %dma_wait3A_600 = tpu.memref_slice %arg2[%dma_wait3A_598, %dma_wait3A_599] : memref<1000000x64xf32, #tpu.memory_space<hbm>> -> memref<1000000x64xf32, #tpu.memory_space<hbm>>
      tpu.wait_indirect_dma semaphore(%arg12 : memref<!tpu.dma_semaphore, #tpu.memory_space<semaphore_mem>>) src(%dma_wait3A_600 : memref<1000000x64xf32, #tpu.memory_space<hbm>>) dst(%dma_wait3A_594 : memref<128x64xf32, #tpu.memory_space<vmem>>)
      %dma_wait3A_601 = arith.constant 3 : i32
      %dma_wait3A_602 = arith.constant 384 : i32
      %dma_wait3A_603 = arith.constant 0 : i32
      %dma_wait3A_604 = tpu.memref_slice %arg8[%dma_wait3A_602, %dma_wait3A_603] : memref<512x64xf32, #tpu.memory_space<vmem>> -> memref<128x64xf32, #tpu.memory_space<vmem>>
      %dma_wait3A_605 = arith.constant 0 : i32
      %dma_wait3A_606 = tpu.memref_slice %arg6[%dma_wait3A_601, %dma_wait3A_605] : memref<4x128xi32, #tpu.memory_space<vmem>> -> memref<1x128xi32, #tpu.memory_space<vmem>>
      %dma_wait3A_607 = tpu.memref_squeeze %dma_wait3A_606 : memref<1x128xi32, #tpu.memory_space<vmem>> -> memref<128xi32, #tpu.memory_space<vmem>>
      %dma_wait3A_608 = arith.constant 0 : i32
      %dma_wait3A_609 = arith.constant 0 : i32
      %dma_wait3A_610 = tpu.memref_slice %arg2[%dma_wait3A_608, %dma_wait3A_609] : memref<1000000x64xf32, #tpu.memory_space<hbm>> -> memref<1000000x64xf32, #tpu.memory_space<hbm>>
      tpu.wait_indirect_dma semaphore(%arg12 : memref<!tpu.dma_semaphore, #tpu.memory_space<semaphore_mem>>) src(%dma_wait3A_610 : memref<1000000x64xf32, #tpu.memory_space<hbm>>) dst(%dma_wait3A_604 : memref<128x64xf32, #tpu.memory_space<vmem>>)
      %add3A_611 = arith.constant 8 : i32
      %add3A_612 = arith.addi %add3A_520, %add3A_611 : i32
      %dma_start3A_613 = arith.constant 0 : i32
      %dma_start3A_614 = tpu.memref_slice %arg3[%add3A_612, %dma_start3A_613] : memref<6400x128xi32, #tpu.memory_space<hbm>> -> memref<4x128xi32, #tpu.memory_space<hbm>>
      %dma_start3A_615 = arith.constant 0 : i32
      %dma_start3A_616 = tpu.memref_slice %arg3[%add3A_612, %dma_start3A_615] : memref<6400x128xi32, #tpu.memory_space<hbm>> -> memref<4x128xi32, #tpu.memory_space<hbm>>
      tpu.enqueue_dma source(%dma_start3A_616 : memref<4x128xi32, #tpu.memory_space<hbm>>) target(%arg6 : memref<4x128xi32, #tpu.memory_space<vmem>>) target_semaphore(%arg10 : memref<!tpu.dma_semaphore, #tpu.memory_space<semaphore_mem>>)
      %dma_start3A_617 = arith.constant 0 : i32
      %dma_start3A_618 = tpu.memref_slice %arg4[%mul3A_522, %dma_start3A_617] : memref<819200x128xf32, #tpu.memory_space<hbm>> -> memref<512x64xf32, #tpu.memory_space<hbm>>
      %dma_start3A_619 = arith.constant 0 : i32
      %dma_start3A_620 = tpu.memref_slice %arg4[%mul3A_522, %dma_start3A_619] : memref<819200x128xf32, #tpu.memory_space<hbm>> -> memref<512x64xf32, #tpu.memory_space<hbm>>
      tpu.enqueue_dma source(%arg8 : memref<512x64xf32, #tpu.memory_space<vmem>>) target(%dma_start3A_620 : memref<512x64xf32, #tpu.memory_space<hbm>>) target_semaphore(%arg14 : memref<!tpu.dma_semaphore, #tpu.memory_space<semaphore_mem>>)
    }
    %scan3A_208 = arith.constant 23 : i32
    %add3A_209 = arith.constant 192 : i32
    %add3A_210 = arith.addi %mul3A_2, %add3A_209 : i32
    %mul3A_211 = arith.constant 128 : i32
    %mul3A_212 = arith.muli %add3A_210, %mul3A_211 : i32
    %dma_wait3A_213 = arith.constant 0 : i32
    %dma_wait3A_214 = tpu.memref_slice %arg3[%add3A_210, %dma_wait3A_213] : memref<6400x128xi32, #tpu.memory_space<hbm>> -> memref<4x128xi32, #tpu.memory_space<hbm>>
    %dma_wait3A_215 = arith.constant 0 : i32
    %dma_wait3A_216 = tpu.memref_slice %arg3[%add3A_210, %dma_wait3A_215] : memref<6400x128xi32, #tpu.memory_space<hbm>> -> memref<4x128xi32, #tpu.memory_space<hbm>>
    tpu.wait_dma2 semaphore(%arg9 : memref<!tpu.dma_semaphore, #tpu.memory_space<semaphore_mem>>) src(%dma_wait3A_216 : memref<4x128xi32, #tpu.memory_space<hbm>>) dst(%arg5 : memref<4x128xi32, #tpu.memory_space<vmem>>)
    %dma_wait3A_217 = arith.constant 0 : i32
    %dma_wait3A_218 = tpu.memref_slice %arg4[%mul3A_212, %dma_wait3A_217] : memref<819200x128xf32, #tpu.memory_space<hbm>> -> memref<512x64xf32, #tpu.memory_space<hbm>>
    %dma_wait3A_219 = arith.constant 0 : i32
    %dma_wait3A_220 = tpu.memref_slice %arg4[%mul3A_212, %dma_wait3A_219] : memref<819200x128xf32, #tpu.memory_space<hbm>> -> memref<512x64xf32, #tpu.memory_space<hbm>>
    tpu.wait_dma2 semaphore(%arg13 : memref<!tpu.dma_semaphore, #tpu.memory_space<semaphore_mem>>) src(%arg7 : memref<512x64xf32, #tpu.memory_space<vmem>>) dst(%dma_wait3A_220 : memref<512x64xf32, #tpu.memory_space<hbm>>)
    %dma_start3A_221 = arith.constant 0 : i32
    %dma_start3A_222 = arith.constant 0 : i32
    %dma_start3A_223 = arith.constant 0 : i32
    %dma_start3A_224 = tpu.memref_slice %arg7[%dma_start3A_222, %dma_start3A_223] : memref<512x64xf32, #tpu.memory_space<vmem>> -> memref<128x64xf32, #tpu.memory_space<vmem>>
    %dma_start3A_225 = arith.constant 0 : i32
    %dma_start3A_226 = tpu.memref_slice %arg5[%dma_start3A_221, %dma_start3A_225] : memref<4x128xi32, #tpu.memory_space<vmem>> -> memref<1x128xi32, #tpu.memory_space<vmem>>
    %dma_start3A_227 = tpu.memref_squeeze %dma_start3A_226 : memref<1x128xi32, #tpu.memory_space<vmem>> -> memref<128xi32, #tpu.memory_space<vmem>>
    %dma_start3A_228 = arith.constant 0 : i32
    %dma_start3A_229 = arith.constant 0 : i32
    %dma_start3A_230 = tpu.memref_slice %arg2[%dma_start3A_228, %dma_start3A_229] : memref<1000000x64xf32, #tpu.memory_space<hbm>> -> memref<1000000x64xf32, #tpu.memory_space<hbm>>
    tpu.enqueue_indirect_dma source(%dma_start3A_230 : memref<1000000x64xf32, #tpu.memory_space<hbm>>) target(%dma_start3A_224 : memref<128x64xf32, #tpu.memory_space<vmem>>) offsets(%dma_start3A_227 : memref<128xi32, #tpu.memory_space<vmem>>) semaphore(%arg11 : memref<!tpu.dma_semaphore, #tpu.memory_space<semaphore_mem>>)
    %dma_start3A_231 = arith.constant 1 : i32
    %dma_start3A_232 = arith.constant 128 : i32
    %dma_start3A_233 = arith.constant 0 : i32
    %dma_start3A_234 = tpu.memref_slice %arg7[%dma_start3A_232, %dma_start3A_233] : memref<512x64xf32, #tpu.memory_space<vmem>> -> memref<128x64xf32, #tpu.memory_space<vmem>>
    %dma_start3A_235 = arith.constant 0 : i32
    %dma_start3A_236 = tpu.memref_slice %arg5[%dma_start3A_231, %dma_start3A_235] : memref<4x128xi32, #tpu.memory_space<vmem>> -> memref<1x128xi32, #tpu.memory_space<vmem>>
    %dma_start3A_237 = tpu.memref_squeeze %dma_start3A_236 : memref<1x128xi32, #tpu.memory_space<vmem>> -> memref<128xi32, #tpu.memory_space<vmem>>
    %dma_start3A_238 = arith.constant 0 : i32
    %dma_start3A_239 = arith.constant 0 : i32
    %dma_start3A_240 = tpu.memref_slice %arg2[%dma_start3A_238, %dma_start3A_239] : memref<1000000x64xf32, #tpu.memory_space<hbm>> -> memref<1000000x64xf32, #tpu.memory_space<hbm>>
    tpu.enqueue_indirect_dma source(%dma_start3A_240 : memref<1000000x64xf32, #tpu.memory_space<hbm>>) target(%dma_start3A_234 : memref<128x64xf32, #tpu.memory_space<vmem>>) offsets(%dma_start3A_237 : memref<128xi32, #tpu.memory_space<vmem>>) semaphore(%arg11 : memref<!tpu.dma_semaphore, #tpu.memory_space<semaphore_mem>>)
    %dma_start3A_241 = arith.constant 2 : i32
    %dma_start3A_242 = arith.constant 256 : i32
    %dma_start3A_243 = arith.constant 0 : i32
    %dma_start3A_244 = tpu.memref_slice %arg7[%dma_start3A_242, %dma_start3A_243] : memref<512x64xf32, #tpu.memory_space<vmem>> -> memref<128x64xf32, #tpu.memory_space<vmem>>
    %dma_start3A_245 = arith.constant 0 : i32
    %dma_start3A_246 = tpu.memref_slice %arg5[%dma_start3A_241, %dma_start3A_245] : memref<4x128xi32, #tpu.memory_space<vmem>> -> memref<1x128xi32, #tpu.memory_space<vmem>>
    %dma_start3A_247 = tpu.memref_squeeze %dma_start3A_246 : memref<1x128xi32, #tpu.memory_space<vmem>> -> memref<128xi32, #tpu.memory_space<vmem>>
    %dma_start3A_248 = arith.constant 0 : i32
    %dma_start3A_249 = arith.constant 0 : i32
    %dma_start3A_250 = tpu.memref_slice %arg2[%dma_start3A_248, %dma_start3A_249] : memref<1000000x64xf32, #tpu.memory_space<hbm>> -> memref<1000000x64xf32, #tpu.memory_space<hbm>>
    tpu.enqueue_indirect_dma source(%dma_start3A_250 : memref<1000000x64xf32, #tpu.memory_space<hbm>>) target(%dma_start3A_244 : memref<128x64xf32, #tpu.memory_space<vmem>>) offsets(%dma_start3A_247 : memref<128xi32, #tpu.memory_space<vmem>>) semaphore(%arg11 : memref<!tpu.dma_semaphore, #tpu.memory_space<semaphore_mem>>)
    %dma_start3A_251 = arith.constant 3 : i32
    %dma_start3A_252 = arith.constant 384 : i32
    %dma_start3A_253 = arith.constant 0 : i32
    %dma_start3A_254 = tpu.memref_slice %arg7[%dma_start3A_252, %dma_start3A_253] : memref<512x64xf32, #tpu.memory_space<vmem>> -> memref<128x64xf32, #tpu.memory_space<vmem>>
    %dma_start3A_255 = arith.constant 0 : i32
    %dma_start3A_256 = tpu.memref_slice %arg5[%dma_start3A_251, %dma_start3A_255] : memref<4x128xi32, #tpu.memory_space<vmem>> -> memref<1x128xi32, #tpu.memory_space<vmem>>
    %dma_start3A_257 = tpu.memref_squeeze %dma_start3A_256 : memref<1x128xi32, #tpu.memory_space<vmem>> -> memref<128xi32, #tpu.memory_space<vmem>>
    %dma_start3A_258 = arith.constant 0 : i32
    %dma_start3A_259 = arith.constant 0 : i32
    %dma_start3A_260 = tpu.memref_slice %arg2[%dma_start3A_258, %dma_start3A_259] : memref<1000000x64xf32, #tpu.memory_space<hbm>> -> memref<1000000x64xf32, #tpu.memory_space<hbm>>
    tpu.enqueue_indirect_dma source(%dma_start3A_260 : memref<1000000x64xf32, #tpu.memory_space<hbm>>) target(%dma_start3A_254 : memref<128x64xf32, #tpu.memory_space<vmem>>) offsets(%dma_start3A_257 : memref<128xi32, #tpu.memory_space<vmem>>) semaphore(%arg11 : memref<!tpu.dma_semaphore, #tpu.memory_space<semaphore_mem>>)
    %dma_wait3A_261 = arith.constant 0 : i32
    %dma_wait3A_262 = arith.constant 0 : i32
    %dma_wait3A_263 = arith.constant 0 : i32
    %dma_wait3A_264 = tpu.memref_slice %arg7[%dma_wait3A_262, %dma_wait3A_263] : memref<512x64xf32, #tpu.memory_space<vmem>> -> memref<128x64xf32, #tpu.memory_space<vmem>>
    %dma_wait3A_265 = arith.constant 0 : i32
    %dma_wait3A_266 = tpu.memref_slice %arg5[%dma_wait3A_261, %dma_wait3A_265] : memref<4x128xi32, #tpu.memory_space<vmem>> -> memref<1x128xi32, #tpu.memory_space<vmem>>
    %dma_wait3A_267 = tpu.memref_squeeze %dma_wait3A_266 : memref<1x128xi32, #tpu.memory_space<vmem>> -> memref<128xi32, #tpu.memory_space<vmem>>
    %dma_wait3A_268 = arith.constant 0 : i32
    %dma_wait3A_269 = arith.constant 0 : i32
    %dma_wait3A_270 = tpu.memref_slice %arg2[%dma_wait3A_268, %dma_wait3A_269] : memref<1000000x64xf32, #tpu.memory_space<hbm>> -> memref<1000000x64xf32, #tpu.memory_space<hbm>>
    tpu.wait_indirect_dma semaphore(%arg11 : memref<!tpu.dma_semaphore, #tpu.memory_space<semaphore_mem>>) src(%dma_wait3A_270 : memref<1000000x64xf32, #tpu.memory_space<hbm>>) dst(%dma_wait3A_264 : memref<128x64xf32, #tpu.memory_space<vmem>>)
    %dma_wait3A_271 = arith.constant 1 : i32
    %dma_wait3A_272 = arith.constant 128 : i32
    %dma_wait3A_273 = arith.constant 0 : i32
    %dma_wait3A_274 = tpu.memref_slice %arg7[%dma_wait3A_272, %dma_wait3A_273] : memref<512x64xf32, #tpu.memory_space<vmem>> -> memref<128x64xf32, #tpu.memory_space<vmem>>
    %dma_wait3A_275 = arith.constant 0 : i32
    %dma_wait3A_276 = tpu.memref_slice %arg5[%dma_wait3A_271, %dma_wait3A_275] : memref<4x128xi32, #tpu.memory_space<vmem>> -> memref<1x128xi32, #tpu.memory_space<vmem>>
    %dma_wait3A_277 = tpu.memref_squeeze %dma_wait3A_276 : memref<1x128xi32, #tpu.memory_space<vmem>> -> memref<128xi32, #tpu.memory_space<vmem>>
    %dma_wait3A_278 = arith.constant 0 : i32
    %dma_wait3A_279 = arith.constant 0 : i32
    %dma_wait3A_280 = tpu.memref_slice %arg2[%dma_wait3A_278, %dma_wait3A_279] : memref<1000000x64xf32, #tpu.memory_space<hbm>> -> memref<1000000x64xf32, #tpu.memory_space<hbm>>
    tpu.wait_indirect_dma semaphore(%arg11 : memref<!tpu.dma_semaphore, #tpu.memory_space<semaphore_mem>>) src(%dma_wait3A_280 : memref<1000000x64xf32, #tpu.memory_space<hbm>>) dst(%dma_wait3A_274 : memref<128x64xf32, #tpu.memory_space<vmem>>)
    %dma_wait3A_281 = arith.constant 2 : i32
    %dma_wait3A_282 = arith.constant 256 : i32
    %dma_wait3A_283 = arith.constant 0 : i32
    %dma_wait3A_284 = tpu.memref_slice %arg7[%dma_wait3A_282, %dma_wait3A_283] : memref<512x64xf32, #tpu.memory_space<vmem>> -> memref<128x64xf32, #tpu.memory_space<vmem>>
    %dma_wait3A_285 = arith.constant 0 : i32
    %dma_wait3A_286 = tpu.memref_slice %arg5[%dma_wait3A_281, %dma_wait3A_285] : memref<4x128xi32, #tpu.memory_space<vmem>> -> memref<1x128xi32, #tpu.memory_space<vmem>>
    %dma_wait3A_287 = tpu.memref_squeeze %dma_wait3A_286 : memref<1x128xi32, #tpu.memory_space<vmem>> -> memref<128xi32, #tpu.memory_space<vmem>>
    %dma_wait3A_288 = arith.constant 0 : i32
    %dma_wait3A_289 = arith.constant 0 : i32
    %dma_wait3A_290 = tpu.memref_slice %arg2[%dma_wait3A_288, %dma_wait3A_289] : memref<1000000x64xf32, #tpu.memory_space<hbm>> -> memref<1000000x64xf32, #tpu.memory_space<hbm>>
    tpu.wait_indirect_dma semaphore(%arg11 : memref<!tpu.dma_semaphore, #tpu.memory_space<semaphore_mem>>) src(%dma_wait3A_290 : memref<1000000x64xf32, #tpu.memory_space<hbm>>) dst(%dma_wait3A_284 : memref<128x64xf32, #tpu.memory_space<vmem>>)
    %dma_wait3A_291 = arith.constant 3 : i32
    %dma_wait3A_292 = arith.constant 384 : i32
    %dma_wait3A_293 = arith.constant 0 : i32
    %dma_wait3A_294 = tpu.memref_slice %arg7[%dma_wait3A_292, %dma_wait3A_293] : memref<512x64xf32, #tpu.memory_space<vmem>> -> memref<128x64xf32, #tpu.memory_space<vmem>>
    %dma_wait3A_295 = arith.constant 0 : i32
    %dma_wait3A_296 = tpu.memref_slice %arg5[%dma_wait3A_291, %dma_wait3A_295] : memref<4x128xi32, #tpu.memory_space<vmem>> -> memref<1x128xi32, #tpu.memory_space<vmem>>
    %dma_wait3A_297 = tpu.memref_squeeze %dma_wait3A_296 : memref<1x128xi32, #tpu.memory_space<vmem>> -> memref<128xi32, #tpu.memory_space<vmem>>
    %dma_wait3A_298 = arith.constant 0 : i32
    %dma_wait3A_299 = arith.constant 0 : i32
    %dma_wait3A_300 = tpu.memref_slice %arg2[%dma_wait3A_298, %dma_wait3A_299] : memref<1000000x64xf32, #tpu.memory_space<hbm>> -> memref<1000000x64xf32, #tpu.memory_space<hbm>>
    tpu.wait_indirect_dma semaphore(%arg11 : memref<!tpu.dma_semaphore, #tpu.memory_space<semaphore_mem>>) src(%dma_wait3A_300 : memref<1000000x64xf32, #tpu.memory_space<hbm>>) dst(%dma_wait3A_294 : memref<128x64xf32, #tpu.memory_space<vmem>>)
    %dma_start3A_301 = arith.constant 0 : i32
    %dma_start3A_302 = tpu.memref_slice %arg4[%mul3A_212, %dma_start3A_301] : memref<819200x128xf32, #tpu.memory_space<hbm>> -> memref<512x64xf32, #tpu.memory_space<hbm>>
    %dma_start3A_303 = arith.constant 0 : i32
    %dma_start3A_304 = tpu.memref_slice %arg4[%mul3A_212, %dma_start3A_303] : memref<819200x128xf32, #tpu.memory_space<hbm>> -> memref<512x64xf32, #tpu.memory_space<hbm>>
    tpu.enqueue_dma source(%arg7 : memref<512x64xf32, #tpu.memory_space<vmem>>) target(%dma_start3A_304 : memref<512x64xf32, #tpu.memory_space<hbm>>) target_semaphore(%arg13 : memref<!tpu.dma_semaphore, #tpu.memory_space<semaphore_mem>>)
    %add3A_305 = arith.constant 4 : i32
    %add3A_306 = arith.addi %add3A_210, %add3A_305 : i32
    %mul3A_307 = arith.constant 128 : i32
    %mul3A_308 = arith.muli %add3A_306, %mul3A_307 : i32
    %dma_wait3A_309 = arith.constant 0 : i32
    %dma_wait3A_310 = tpu.memref_slice %arg3[%add3A_306, %dma_wait3A_309] : memref<6400x128xi32, #tpu.memory_space<hbm>> -> memref<4x128xi32, #tpu.memory_space<hbm>>
    %dma_wait3A_311 = arith.constant 0 : i32
    %dma_wait3A_312 = tpu.memref_slice %arg3[%add3A_306, %dma_wait3A_311] : memref<6400x128xi32, #tpu.memory_space<hbm>> -> memref<4x128xi32, #tpu.memory_space<hbm>>
    tpu.wait_dma2 semaphore(%arg10 : memref<!tpu.dma_semaphore, #tpu.memory_space<semaphore_mem>>) src(%dma_wait3A_312 : memref<4x128xi32, #tpu.memory_space<hbm>>) dst(%arg6 : memref<4x128xi32, #tpu.memory_space<vmem>>)
    %dma_wait3A_313 = arith.constant 0 : i32
    %dma_wait3A_314 = tpu.memref_slice %arg4[%mul3A_308, %dma_wait3A_313] : memref<819200x128xf32, #tpu.memory_space<hbm>> -> memref<512x64xf32, #tpu.memory_space<hbm>>
    %dma_wait3A_315 = arith.constant 0 : i32
    %dma_wait3A_316 = tpu.memref_slice %arg4[%mul3A_308, %dma_wait3A_315] : memref<819200x128xf32, #tpu.memory_space<hbm>> -> memref<512x64xf32, #tpu.memory_space<hbm>>
    tpu.wait_dma2 semaphore(%arg14 : memref<!tpu.dma_semaphore, #tpu.memory_space<semaphore_mem>>) src(%arg8 : memref<512x64xf32, #tpu.memory_space<vmem>>) dst(%dma_wait3A_316 : memref<512x64xf32, #tpu.memory_space<hbm>>)
    %dma_start3A_317 = arith.constant 0 : i32
    %dma_start3A_318 = arith.constant 0 : i32
    %dma_start3A_319 = arith.constant 0 : i32
    %dma_start3A_320 = tpu.memref_slice %arg8[%dma_start3A_318, %dma_start3A_319] : memref<512x64xf32, #tpu.memory_space<vmem>> -> memref<128x64xf32, #tpu.memory_space<vmem>>
    %dma_start3A_321 = arith.constant 0 : i32
    %dma_start3A_322 = tpu.memref_slice %arg6[%dma_start3A_317, %dma_start3A_321] : memref<4x128xi32, #tpu.memory_space<vmem>> -> memref<1x128xi32, #tpu.memory_space<vmem>>
    %dma_start3A_323 = tpu.memref_squeeze %dma_start3A_322 : memref<1x128xi32, #tpu.memory_space<vmem>> -> memref<128xi32, #tpu.memory_space<vmem>>
    %dma_start3A_324 = arith.constant 0 : i32
    %dma_start3A_325 = arith.constant 0 : i32
    %dma_start3A_326 = tpu.memref_slice %arg2[%dma_start3A_324, %dma_start3A_325] : memref<1000000x64xf32, #tpu.memory_space<hbm>> -> memref<1000000x64xf32, #tpu.memory_space<hbm>>
    tpu.enqueue_indirect_dma source(%dma_start3A_326 : memref<1000000x64xf32, #tpu.memory_space<hbm>>) target(%dma_start3A_320 : memref<128x64xf32, #tpu.memory_space<vmem>>) offsets(%dma_start3A_323 : memref<128xi32, #tpu.memory_space<vmem>>) semaphore(%arg12 : memref<!tpu.dma_semaphore, #tpu.memory_space<semaphore_mem>>)
    %dma_start3A_327 = arith.constant 1 : i32
    %dma_start3A_328 = arith.constant 128 : i32
    %dma_start3A_329 = arith.constant 0 : i32
    %dma_start3A_330 = tpu.memref_slice %arg8[%dma_start3A_328, %dma_start3A_329] : memref<512x64xf32, #tpu.memory_space<vmem>> -> memref<128x64xf32, #tpu.memory_space<vmem>>
    %dma_start3A_331 = arith.constant 0 : i32
    %dma_start3A_332 = tpu.memref_slice %arg6[%dma_start3A_327, %dma_start3A_331] : memref<4x128xi32, #tpu.memory_space<vmem>> -> memref<1x128xi32, #tpu.memory_space<vmem>>
    %dma_start3A_333 = tpu.memref_squeeze %dma_start3A_332 : memref<1x128xi32, #tpu.memory_space<vmem>> -> memref<128xi32, #tpu.memory_space<vmem>>
    %dma_start3A_334 = arith.constant 0 : i32
    %dma_start3A_335 = arith.constant 0 : i32
    %dma_start3A_336 = tpu.memref_slice %arg2[%dma_start3A_334, %dma_start3A_335] : memref<1000000x64xf32, #tpu.memory_space<hbm>> -> memref<1000000x64xf32, #tpu.memory_space<hbm>>
    tpu.enqueue_indirect_dma source(%dma_start3A_336 : memref<1000000x64xf32, #tpu.memory_space<hbm>>) target(%dma_start3A_330 : memref<128x64xf32, #tpu.memory_space<vmem>>) offsets(%dma_start3A_333 : memref<128xi32, #tpu.memory_space<vmem>>) semaphore(%arg12 : memref<!tpu.dma_semaphore, #tpu.memory_space<semaphore_mem>>)
    %dma_start3A_337 = arith.constant 2 : i32
    %dma_start3A_338 = arith.constant 256 : i32
    %dma_start3A_339 = arith.constant 0 : i32
    %dma_start3A_340 = tpu.memref_slice %arg8[%dma_start3A_338, %dma_start3A_339] : memref<512x64xf32, #tpu.memory_space<vmem>> -> memref<128x64xf32, #tpu.memory_space<vmem>>
    %dma_start3A_341 = arith.constant 0 : i32
    %dma_start3A_342 = tpu.memref_slice %arg6[%dma_start3A_337, %dma_start3A_341] : memref<4x128xi32, #tpu.memory_space<vmem>> -> memref<1x128xi32, #tpu.memory_space<vmem>>
    %dma_start3A_343 = tpu.memref_squeeze %dma_start3A_342 : memref<1x128xi32, #tpu.memory_space<vmem>> -> memref<128xi32, #tpu.memory_space<vmem>>
    %dma_start3A_344 = arith.constant 0 : i32
    %dma_start3A_345 = arith.constant 0 : i32
    %dma_start3A_346 = tpu.memref_slice %arg2[%dma_start3A_344, %dma_start3A_345] : memref<1000000x64xf32, #tpu.memory_space<hbm>> -> memref<1000000x64xf32, #tpu.memory_space<hbm>>
    tpu.enqueue_indirect_dma source(%dma_start3A_346 : memref<1000000x64xf32, #tpu.memory_space<hbm>>) target(%dma_start3A_340 : memref<128x64xf32, #tpu.memory_space<vmem>>) offsets(%dma_start3A_343 : memref<128xi32, #tpu.memory_space<vmem>>) semaphore(%arg12 : memref<!tpu.dma_semaphore, #tpu.memory_space<semaphore_mem>>)
    %dma_start3A_347 = arith.constant 3 : i32
    %dma_start3A_348 = arith.constant 384 : i32
    %dma_start3A_349 = arith.constant 0 : i32
    %dma_start3A_350 = tpu.memref_slice %arg8[%dma_start3A_348, %dma_start3A_349] : memref<512x64xf32, #tpu.memory_space<vmem>> -> memref<128x64xf32, #tpu.memory_space<vmem>>
    %dma_start3A_351 = arith.constant 0 : i32
    %dma_start3A_352 = tpu.memref_slice %arg6[%dma_start3A_347, %dma_start3A_351] : memref<4x128xi32, #tpu.memory_space<vmem>> -> memref<1x128xi32, #tpu.memory_space<vmem>>
    %dma_start3A_353 = tpu.memref_squeeze %dma_start3A_352 : memref<1x128xi32, #tpu.memory_space<vmem>> -> memref<128xi32, #tpu.memory_space<vmem>>
    %dma_start3A_354 = arith.constant 0 : i32
    %dma_start3A_355 = arith.constant 0 : i32
    %dma_start3A_356 = tpu.memref_slice %arg2[%dma_start3A_354, %dma_start3A_355] : memref<1000000x64xf32, #tpu.memory_space<hbm>> -> memref<1000000x64xf32, #tpu.memory_space<hbm>>
    tpu.enqueue_indirect_dma source(%dma_start3A_356 : memref<1000000x64xf32, #tpu.memory_space<hbm>>) target(%dma_start3A_350 : memref<128x64xf32, #tpu.memory_space<vmem>>) offsets(%dma_start3A_353 : memref<128xi32, #tpu.memory_space<vmem>>) semaphore(%arg12 : memref<!tpu.dma_semaphore, #tpu.memory_space<semaphore_mem>>)
    %dma_wait3A_357 = arith.constant 0 : i32
    %dma_wait3A_358 = arith.constant 0 : i32
    %dma_wait3A_359 = arith.constant 0 : i32
    %dma_wait3A_360 = tpu.memref_slice %arg8[%dma_wait3A_358, %dma_wait3A_359] : memref<512x64xf32, #tpu.memory_space<vmem>> -> memref<128x64xf32, #tpu.memory_space<vmem>>
    %dma_wait3A_361 = arith.constant 0 : i32
    %dma_wait3A_362 = tpu.memref_slice %arg6[%dma_wait3A_357, %dma_wait3A_361] : memref<4x128xi32, #tpu.memory_space<vmem>> -> memref<1x128xi32, #tpu.memory_space<vmem>>
    %dma_wait3A_363 = tpu.memref_squeeze %dma_wait3A_362 : memref<1x128xi32, #tpu.memory_space<vmem>> -> memref<128xi32, #tpu.memory_space<vmem>>
    %dma_wait3A_364 = arith.constant 0 : i32
    %dma_wait3A_365 = arith.constant 0 : i32
    %dma_wait3A_366 = tpu.memref_slice %arg2[%dma_wait3A_364, %dma_wait3A_365] : memref<1000000x64xf32, #tpu.memory_space<hbm>> -> memref<1000000x64xf32, #tpu.memory_space<hbm>>
    tpu.wait_indirect_dma semaphore(%arg12 : memref<!tpu.dma_semaphore, #tpu.memory_space<semaphore_mem>>) src(%dma_wait3A_366 : memref<1000000x64xf32, #tpu.memory_space<hbm>>) dst(%dma_wait3A_360 : memref<128x64xf32, #tpu.memory_space<vmem>>)
    %dma_wait3A_367 = arith.constant 1 : i32
    %dma_wait3A_368 = arith.constant 128 : i32
    %dma_wait3A_369 = arith.constant 0 : i32
    %dma_wait3A_370 = tpu.memref_slice %arg8[%dma_wait3A_368, %dma_wait3A_369] : memref<512x64xf32, #tpu.memory_space<vmem>> -> memref<128x64xf32, #tpu.memory_space<vmem>>
    %dma_wait3A_371 = arith.constant 0 : i32
    %dma_wait3A_372 = tpu.memref_slice %arg6[%dma_wait3A_367, %dma_wait3A_371] : memref<4x128xi32, #tpu.memory_space<vmem>> -> memref<1x128xi32, #tpu.memory_space<vmem>>
    %dma_wait3A_373 = tpu.memref_squeeze %dma_wait3A_372 : memref<1x128xi32, #tpu.memory_space<vmem>> -> memref<128xi32, #tpu.memory_space<vmem>>
    %dma_wait3A_374 = arith.constant 0 : i32
    %dma_wait3A_375 = arith.constant 0 : i32
    %dma_wait3A_376 = tpu.memref_slice %arg2[%dma_wait3A_374, %dma_wait3A_375] : memref<1000000x64xf32, #tpu.memory_space<hbm>> -> memref<1000000x64xf32, #tpu.memory_space<hbm>>
    tpu.wait_indirect_dma semaphore(%arg12 : memref<!tpu.dma_semaphore, #tpu.memory_space<semaphore_mem>>) src(%dma_wait3A_376 : memref<1000000x64xf32, #tpu.memory_space<hbm>>) dst(%dma_wait3A_370 : memref<128x64xf32, #tpu.memory_space<vmem>>)
    %dma_wait3A_377 = arith.constant 2 : i32
    %dma_wait3A_378 = arith.constant 256 : i32
    %dma_wait3A_379 = arith.constant 0 : i32
    %dma_wait3A_380 = tpu.memref_slice %arg8[%dma_wait3A_378, %dma_wait3A_379] : memref<512x64xf32, #tpu.memory_space<vmem>> -> memref<128x64xf32, #tpu.memory_space<vmem>>
    %dma_wait3A_381 = arith.constant 0 : i32
    %dma_wait3A_382 = tpu.memref_slice %arg6[%dma_wait3A_377, %dma_wait3A_381] : memref<4x128xi32, #tpu.memory_space<vmem>> -> memref<1x128xi32, #tpu.memory_space<vmem>>
    %dma_wait3A_383 = tpu.memref_squeeze %dma_wait3A_382 : memref<1x128xi32, #tpu.memory_space<vmem>> -> memref<128xi32, #tpu.memory_space<vmem>>
    %dma_wait3A_384 = arith.constant 0 : i32
    %dma_wait3A_385 = arith.constant 0 : i32
    %dma_wait3A_386 = tpu.memref_slice %arg2[%dma_wait3A_384, %dma_wait3A_385] : memref<1000000x64xf32, #tpu.memory_space<hbm>> -> memref<1000000x64xf32, #tpu.memory_space<hbm>>
    tpu.wait_indirect_dma semaphore(%arg12 : memref<!tpu.dma_semaphore, #tpu.memory_space<semaphore_mem>>) src(%dma_wait3A_386 : memref<1000000x64xf32, #tpu.memory_space<hbm>>) dst(%dma_wait3A_380 : memref<128x64xf32, #tpu.memory_space<vmem>>)
    %dma_wait3A_387 = arith.constant 3 : i32
    %dma_wait3A_388 = arith.constant 384 : i32
    %dma_wait3A_389 = arith.constant 0 : i32
    %dma_wait3A_390 = tpu.memref_slice %arg8[%dma_wait3A_388, %dma_wait3A_389] : memref<512x64xf32, #tpu.memory_space<vmem>> -> memref<128x64xf32, #tpu.memory_space<vmem>>
    %dma_wait3A_391 = arith.constant 0 : i32
    %dma_wait3A_392 = tpu.memref_slice %arg6[%dma_wait3A_387, %dma_wait3A_391] : memref<4x128xi32, #tpu.memory_space<vmem>> -> memref<1x128xi32, #tpu.memory_space<vmem>>
    %dma_wait3A_393 = tpu.memref_squeeze %dma_wait3A_392 : memref<1x128xi32, #tpu.memory_space<vmem>> -> memref<128xi32, #tpu.memory_space<vmem>>
    %dma_wait3A_394 = arith.constant 0 : i32
    %dma_wait3A_395 = arith.constant 0 : i32
    %dma_wait3A_396 = tpu.memref_slice %arg2[%dma_wait3A_394, %dma_wait3A_395] : memref<1000000x64xf32, #tpu.memory_space<hbm>> -> memref<1000000x64xf32, #tpu.memory_space<hbm>>
    tpu.wait_indirect_dma semaphore(%arg12 : memref<!tpu.dma_semaphore, #tpu.memory_space<semaphore_mem>>) src(%dma_wait3A_396 : memref<1000000x64xf32, #tpu.memory_space<hbm>>) dst(%dma_wait3A_390 : memref<128x64xf32, #tpu.memory_space<vmem>>)
    %dma_start3A_397 = arith.constant 0 : i32
    %dma_start3A_398 = tpu.memref_slice %arg4[%mul3A_308, %dma_start3A_397] : memref<819200x128xf32, #tpu.memory_space<hbm>> -> memref<512x64xf32, #tpu.memory_space<hbm>>
    %dma_start3A_399 = arith.constant 0 : i32
    %dma_start3A_400 = tpu.memref_slice %arg4[%mul3A_308, %dma_start3A_399] : memref<819200x128xf32, #tpu.memory_space<hbm>> -> memref<512x64xf32, #tpu.memory_space<hbm>>
    tpu.enqueue_dma source(%arg8 : memref<512x64xf32, #tpu.memory_space<vmem>>) target(%dma_start3A_400 : memref<512x64xf32, #tpu.memory_space<hbm>>) target_semaphore(%arg14 : memref<!tpu.dma_semaphore, #tpu.memory_space<semaphore_mem>>)
    %dma_wait3A_401 = arith.constant 0 : i32
    %dma_wait3A_402 = arith.constant 0 : i32
    %dma_wait3A_403 = tpu.memref_slice %arg4[%dma_wait3A_401, %dma_wait3A_402] : memref<819200x128xf32, #tpu.memory_space<hbm>> -> memref<512x64xf32, #tpu.memory_space<hbm>>
    %dma_wait3A_404 = arith.constant 0 : i32
    %dma_wait3A_405 = arith.constant 0 : i32
    %dma_wait3A_406 = tpu.memref_slice %arg4[%dma_wait3A_404, %dma_wait3A_405] : memref<819200x128xf32, #tpu.memory_space<hbm>> -> memref<512x64xf32, #tpu.memory_space<hbm>>
    tpu.wait_dma2 semaphore(%arg13 : memref<!tpu.dma_semaphore, #tpu.memory_space<semaphore_mem>>) src(%arg7 : memref<512x64xf32, #tpu.memory_space<vmem>>) dst(%dma_wait3A_406 : memref<512x64xf32, #tpu.memory_space<hbm>>)
    %dma_wait3A_407 = arith.constant 0 : i32
    %dma_wait3A_408 = arith.constant 0 : i32
    %dma_wait3A_409 = tpu.memref_slice %arg4[%dma_wait3A_407, %dma_wait3A_408] : memref<819200x128xf32, #tpu.memory_space<hbm>> -> memref<512x64xf32, #tpu.memory_space<hbm>>
    %dma_wait3A_410 = arith.constant 0 : i32
    %dma_wait3A_411 = arith.constant 0 : i32
    %dma_wait3A_412 = tpu.memref_slice %arg4[%dma_wait3A_410, %dma_wait3A_411] : memref<819200x128xf32, #tpu.memory_space<hbm>> -> memref<512x64xf32, #tpu.memory_space<hbm>>
    tpu.wait_dma2 semaphore(%arg14 : memref<!tpu.dma_semaphore, #tpu.memory_space<semaphore_mem>>) src(%arg8 : memref<512x64xf32, #tpu.memory_space<vmem>>) dst(%dma_wait3A_412 : memref<512x64xf32, #tpu.memory_space<hbm>>)
    return
  }
}

</mosaic_0001>

<sc_bundles>
// kernel: kernel.3.cloned.1.call-start
scs
__scs_entry_jumppad:
0x0: {  	(pc) =	sbr.rel $0x88, $3  }
0x1: {  	(tag) =	ssettag $0x0;
	lr =	simm.s32 $0x1  }
0x2: {  	[smem:$0x3F9F] =	sst lr;
	_ =	strace $0xD0000000  }
0x3: {  	_ = 	snop  }
0x4: {  	_ = 	snop  }
0x5: {  	_ = 	snop  }
0x6: {  	_ = 	snop  }
0x7: {  	_ = 	snop  }
__scs_overlays_trampoline_lowered:
0x8: {  	[smem:$0x3FAE] =	sst s0  }
0x9: {  	[smem:$0x3FAF] =	sst s1  }
0xa: {  	[smem:$0x3FB0] =	sst s2  }
0xb: {  	[smem:$0x3FB1] =	sst s3  }
0xc: {  	[smem:$0x3FB2] =	sst s4  }
0xd: {  	[smem:$0x3FB3] =	sst s5  }
0xe: {  	[smem:$0x3FB4] =	sst s6  }
0xf: {  	[smem:$0x3FB5] =	sst s7  }
0x10: {  	[smem:$0x3FB6] =	sst s8  }
0x11: {  	[smem:$0x3FB7] =	sst s9;
	s0 =	simm.s32 @!p0 $0x0  }
0x12: {  	s1 =	sld [smem:$0x3F9D];
	s0 =	simm.s32 @p0 $0x1  }
0x13: {  	[smem:$0x3FB8] =	sst s0;
	s0 =	simm.s32 @!p1 $0x0  }
0x14: {  	s2 =	sld [smem:$0x3F9C];
	s0 =	simm.s32 @p1 $0x1  }
0x15: {  	[smem:$0x3FB9] =	sst s0;
	s0 =	simm.s32 @!p2 $0x0  }
0x16: {  	s3 =	sld [smem:$0x3FDB];
	s0 =	simm.s32 @p2 $0x1  }
0x17: {  	s4 =	simm.s32 $0x1BF5;
	[smem:$0x3FBB] =	sst s0  }
0x18: {  	s0 =	sld [smem:$0x3F9E];
	_ =	swait.ge [sflag:s4], $0x0  }
0x19: {  	s7 =	sld [smem:$0x3F9F]  }
0x1a: {  	s8 =	sadd.s32 $0xFFFFE003, lr  }
0x1b: {  	s9 =	sadd.s32 $0xFFFFFEF7, lr;
	s5 =	simm.s32 $0xFFFFFFFF;
	p2 =	slt.u32 s8, $0xFFFFF086  }
0x1c: {  	p1 =	slt.u32 s9, $0xF7A;
	s5 =	simm.s32 @!p2 $0x0  }
0x1d: {  	s5 =	simm.s32 @p1 $0x1;
	p0 =	seq.s32 s7, s2  }
0x1e: {  	s7 =	smul.u32 @!p0 $0xF7A, s2;
	p2 =	seq.s32 @!p0 s5, $0x0  }
0x1f: {  	s9 =	smul.u32 $0xF7A, s1;
	s8 =	simm.s32 @!p0 $0x1BF5;
	p2 =	por !p2, p0  }
0x20: {  	[sflag:s8] =	ssyncset.s32 @!p0 $0xFFFFF086;
	s6 =	sadd.s32 @!p0 s3, s7;
	s7 =	simm.s32 @!p0 $0x108  }
0x21: {  	s3 =	sadd.s32 s3, s9;
	s6 =	sadd.s32 @!p0 $0x88, s6;
	s7 =	simm.s32 @p2 $0x1082  }
0x22: {  	[simem:s7], [sflag:s8] =	dma.local @!p0 [hbm:s6], $0xF7A  }
0x23: {  	s9 =	sor.u32 $0xD0000000, s2;
	s6 =	simm.s32 $0x108;
	_ =	swait.ge @!p0 [sflag:s8], $0x0  }
0x24: {  	s3 =	sadd.s32 $0x88, s3;
	s6 =	simm.s32 @!p1 $0x1082;
	[sflag:s4] =	ssyncset.s32 $0xFFFFF086  }
0x25: {  	[simem:s6], [sflag:s4] =	dma.local [hbm:s3], $0xF7A  }
0x26: {  	[smem:$0x3F9F] =	sst s1;
	(tag) =	ssettag s2;
	_ =	strace s9  }
0x27: {  	s1 =	sld [smem:$0x3FAF]  }
0x28: {  	s2 =	sld [smem:$0x3FB0]  }
0x29: {  	s4 =	sld [smem:$0x3FB2]  }
0x2a: {  	p0 =	seq.s32 s5, $0x0;
	s5 =	sld [smem:$0x3FB3]  }
0x2b: {  	s6 =	sld [smem:$0x3FB4]  }
0x2c: {  	s7 =	sld [smem:$0x3FB5]  }
0x2d: {  	s3 =	simm.s32 $0x108;
	s8 =	sld [smem:$0x3FB6]  }
0x2e: {  	s3 =	simm.s32 @!p0 $0x1082;
	s9 =	sld [smem:$0x3FB7]  }
0x2f: {  	lr =	sadd.s32 s0, s3;
	s0 =	sld [smem:$0x3FAE]  }
0x30: {  	s3 =	sld [smem:$0x3FB1]  }
0x31: {  	[smem:$0x3FBA] =	sst s10  }
0x32: {  	s10 =	sld [smem:$0x3FB8];
	_ =	sdelay $0x3  }
0x33: {  	p0 =	seq.s32 s10, $0x1;
	s10 =	sld [smem:$0x3FBA];
	_ =	sdelay $0x3  }
0x34: {  	[smem:$0x3FBA] =	sst s10  }
0x35: {  	s10 =	sld [smem:$0x3FB9];
	_ =	sdelay $0x3  }
0x36: {  	p1 =	seq.s32 s10, $0x1;
	s10 =	sld [smem:$0x3FBA];
	_ =	sdelay $0x3  }
0x37: {  	[smem:$0x3FBA] =	sst s10  }
0x38: {  	s10 =	sld [smem:$0x3FBB]  }
0x39: {  	_ = 	snop;
	(pc) =	sbr.ind lr, $3  }
0x3a: {  	_ = 	snop  }
0x3b: {  	_ = 	snop  }
0x3c: {  	p2 =	seq.s32 s10, $0x1;
	s10 =	sld [smem:$0x3FBA]  }
0x3d: {  	_ =	shalt  }
0x3e: {  	_ =	shalt  }
0x3f: {  	_ =	shalt  }
0x40: {  	_ =	shalt  }
0x41: {  	_ =	shalt  }
0x42: {  	_ =	shalt  }
0x43: {  	_ =	shalt  }
0x44: {  	_ =	shalt  }
0x45: {  	_ =	shalt  }
0x46: {  	_ =	shalt  }
0x47: {  	_ =	shalt  }
0x48: {  	_ =	shalt  }
0x49: {  	_ =	shalt  }
0x4a: {  	_ =	shalt  }
0x4b: {  	_ =	shalt  }
0x4c: {  	_ =	shalt  }
0x4d: {  	_ =	shalt  }
0x4e: {  	_ =	shalt  }
0x4f: {  	_ =	shalt  }
0x50: {  	_ =	shalt  }
0x51: {  	_ =	shalt  }
0x52: {  	_ =	shalt  }
0x53: {  	_ =	shalt  }
0x54: {  	_ =	shalt  }
0x55: {  	_ =	shalt  }
0x56: {  	_ =	shalt  }
0x57: {  	_ =	shalt  }
0x58: {  	_ =	shalt  }
0x59: {  	_ =	shalt  }
0x5a: {  	_ =	shalt  }
0x5b: {  	_ =	shalt  }
0x5c: {  	_ =	shalt  }
0x5d: {  	_ =	shalt  }
0x5e: {  	_ =	shalt  }
0x5f: {  	_ =	shalt  }
0x60: {  	_ =	shalt  }
0x61: {  	_ =	shalt  }
0x62: {  	_ =	shalt  }
0x63: {  	_ =	shalt  }
0x64: {  	_ =	shalt  }
0x65: {  	_ =	shalt  }
0x66: {  	_ =	shalt  }
0x67: {  	_ =	shalt  }
0x68: {  	_ =	shalt  }
0x69: {  	_ =	shalt  }
0x6a: {  	_ =	shalt  }
0x6b: {  	_ =	shalt  }
0x6c: {  	_ =	shalt  }
0x6d: {  	_ =	shalt  }
0x6e: {  	_ =	shalt  }
0x6f: {  	_ =	shalt  }
0x70: {  	_ =	shalt  }
0x71: {  	_ =	shalt  }
0x72: {  	_ =	shalt  }
0x73: {  	_ =	shalt  }
0x74: {  	_ =	shalt  }
0x75: {  	_ =	shalt  }
0x76: {  	_ =	shalt  }
0x77: {  	_ =	shalt  }
0x78: {  	_ =	shalt  }
0x79: {  	_ =	shalt  }
0x7a: {  	_ =	shalt  }
0x7b: {  	_ =	shalt  }
0x7c: {  	_ =	shalt  }
0x7d: {  	_ =	shalt  }
0x7e: {  	_ =	shalt  }
0x7f: {  	_ =	shalt  }
0x80: {  	_ =	shalt  }
0x81: {  	_ =	shalt  }
0x82: {  	_ =	shalt  }
0x83: {  	_ =	shalt  }
0x84: {  	_ =	shalt  }
0x85: {  	_ =	shalt  }
0x86: {  	_ =	shalt  }
0x87: {  	_ =	shalt  }
.Lfunc_end0:
.L_simem_size_0:
called_computation.1_lowered:
.L_overlay_start_0:
0x88: {  	s2 =	sld [smem:$0x3FD9]  }
0x89: {  	s3 =	sld [smem:$0x3FFE];
	_ =	sdelay $0x1  }
0x8a: {  	s1 =	srdreg.scid  }
0x8b: {  	s0 =	sand.u32 $0x1, s1  }
0x8c: {  	s17 =	sshll.u32 s0, $0xA;
	s2 =	sadd.s32 s3, s2  }
0x8d: {  	s2 =	sadd.s32 s2, s17  }
0x8e: {  	[smem:$0x3FC6] =	sst s2  }
0x8f: {  	_ = 	snop  }
0x90: {  	s2 =	sld [smem:$0x3FD0];
	(tm) =	ssettm $0x1  }
0x91: {  	s18 =	sld [smem:$0x3FFB];
	_ =	sdelay $0x3  }
0x92: {  	_ =	strace s18  }
0x93: {  	s3 =	sld [smem:$0x3FFC];
	_ =	sdelay $0x3  }
0x94: {  	_ =	strace s3  }
0x95: {  	s3 =	sld [smem:$0x3FFD];
	_ =	sdelay $0x3  }
0x96: {  	_ =	strace s3  }
0x97: {  	_ =	strace $0x8FFFFFFF  }
0x98: {  	s19 =	sld [smem:$0x3FDB];
	_ =	sdelay $0x1  }
0x99: {  	s4 =	simm.s32 $_scs_section_size  }
0x9a: {  	s5 =	simm.s32 $_size__tile_overlayer_lowered;
	s6 =	simm.s32 $_tile_overlayer_lowered  }
0x9b: {  	s22 =	simm.s32 $0x1BFF;
	s21 =	sshll.u32 s6, $0x1;
	s3 =	sadd.s32 s4, s19  }
0x9c: {  	s7 =	simm.s32 $0x0;
	s20 =	sshll.u32 s5, $0x1;
	s5 =	sadd.s32 s21, s3  }
0x9d: {  	[timem:s7], [sflag:s22] =	dma.local [hbm:s5], s20  }
0x9e: {  	_ =	swait.ge [sflag:s22], s20  }
0x9f: {  	s4 =	ssub.s32 $0x0, s20;
	[sflag:s22] =	ssyncset.done $0x0  }
0xa0: {  	[sflag:s22] =	ssyncadd.s32 s4;
	_ =	sdelay $0x1  }
0xa1: {  	s23 =	simm.s32 $0x1B8B  }
0xa2: {  	_ =	swait.ge [sflag:s23], $0x1  }
0xa3: {  	[sflag:s23] =	ssyncset.done $0x0  }
0xa4: {  	s25 =	simm.s32 $0x1B8E;
	s24 =	sld [smem:$0x3FFE];
	[sflag:s23] =	ssyncadd.s32 $0xFFFFFFFF  }
0xa5: {  	s26 =	simm.s32 $execute0_lowered;
	[smem:$0x3FD2] =	sst s25  }
0xa6: {  	s5 =	sshll.u32 s26, $0x1;
	_ =	strace $0x80000046;
	[dreg:$0x1] =	wrdreg $0xFFFFFFFF  }
0xa7: {  	s28 =	simm.s32 $_size_execute0_lowered;
	s3 =	sadd.s32 s3, s5;
	[dreg:$0x0] =	wrdreg $0x0  }
0xa8: {  	s5 =	sshll.u32 s28, $0x1;
	[dreg:$0x2] =	wrdreg s3  }
0xa9: {  	[dreg:$0x3] =	wrdreg s5  }
0xaa: {  	[dreg:$0x4] =	wrdreg $0xC0  }
0xab: {  	_ =	task [dreg:s7], $0x5FFFF  }
0xac: {  	[dreg:$0x1] =	wrdreg $0xFFFFFFFF  }
0xad: {  	[dreg:$0x0] =	wrdreg $0x60  }
0xae: {  	[dreg:$0x2] =	wrdreg s24  }
0xaf: {  	[dreg:$0x3] =	wrdreg s2  }
0xb0: {  	[dreg:$0x4] =	wrdreg $0x9  }
0xb1: {  	_ =	task.clear_ibuf [dreg:s7], $0x5FFFF;
	_ =	strace $0x90000046  }
0xb2: {  	s29 =	simm.s32 $0x9;
	_ =	strace $0x80000048  }
0xb3: {  	_ =	swait.ge [sflag:s29], $0x1  }
0xb4: {  	[sflag:s29] =	ssyncadd.s32 $0xFFFFFFFF  }
0xb5: {  	_ =	strace $0x90000048  }
0xb6: {  	_ =	sfence  }
0xb7: {  	s30 =	sld [smem:$0x0];
	_ =	sdelay $0x2  }
0xb8: {  	s31 =	sshll.u32 s1, $0xD;
	s1 =	sshrl.u32 s1, $0x2  }
0xb9: {  	s3 =	sand.u32 $0x4000, s31;
	s1 =	sadd.s32 s1, s30  }
0xba: {  	s0 =	sor.u32 s3, s0;
	s1 =	sshll.u32 s1, $0x11  }
0xbb: {  	s0 =	sor.u32 s1, s0  }
0xbc: {  	s0 =	sadd.s32 $0x8F2B, s0  }
0xbd: {  	[sflag:s0] =	ssyncadd.remote.s32 $0x1  }
0xbe: {  	_ =	sfence.sel $0xFFFF  }
0xbf: {  	[dreg:$0x0] =	wrdreg $0xFFFFFFFF;
	(pc) =	sbr.abs _section_cstart, $3  }
0xc0: {  	[dreg:$0x1] =	wrdreg $0xFFFFFFFF  }
0xc1: {  	_ =	task.clear_ibuf [dreg:s7], $0x2FFFF;
	_ =	strace $0x9FFFFFFF  }
0xc2: {  	(tm) =	ssettm $0x7FFFFFFF  }
0xc3: {  	_ =	shalt  }
tec
execute0_lowered:
.L_overlay_start_1:
0x0: {  	(tag) =	ssettag $0x1  }
0x1: {  	s0 =	rddreg [dreg:$0x0]  }
0x2: {  	s1 =	rddreg [dreg:$0x1];
	s3 =	srdreg.scid  }
0x3: {  	s11 =	stileid.u32;
	s2 =	simm.s32 $0x0;
	s14 =	simm.s32 $0x200  }
0x4: {  	s28 =	simm.s32 $0x280;
	s29 =	simm.s32 $0xA400;
	s20 =	smul.u32 $0x1900, s11  }
0x5: {  	s30 =	simm.s32 $0x300;
	s4 =	sand.u32 $0x1, s3;
	s21 =	smul.u32 $0x190, s11  }
0x6: {  	s31 =	simm.s32 $0xC400;
	s15 =	sshll.u32 s11, $0x1;
	s22 =	smul.u32 $0xC8, s4  }
0x7: {  	s5 =	sor.u32 s4, s15;
	s6 =	ssub.s32 $0x2, s4;
	s4 =	smul.u32 $0xC80, s4  }
0x8: {  	[smem:$0x7FF] =	sst s2;
	s3 =	sadd.s32 $0xF42E00, s0;
	s7 =	smul.u32 $0xC80, s5  }
0x9: {  	s0 =	sadd.s32 $0xA00, s0;
	_ =	strace $0x80000047;
	s9 =	smul.u32 $0x6400, s5  }
0xa: {  	s15 =	simm.s32 $0x1;
	s8 =	sshrl.u32 s6, $0x1;
	s18 =	smul.u32 $0x64000, s5  }
0xb: {  	s5 =	smul.u32 $0x320000, s5;
	s6 =	ssub.s32 s6, s8;
	s24 =	sadd.s32 s22, s21  }
0xc: {  	s21 =	simm.s32 $0x180;
	s22 =	simm.s32 $0x6400;
	s7 =	sadd.s32 s1, s7  }
0xd: {  	s16 =	sor.u32 $0x200, s9;
	s17 =	sshrl.u32 s9, $0x3;
	s9 =	sadd.s32 s0, s18  }
0xe: {  	s5 =	sshrl.u32 s5, $0x3;
	s25 =	sshll.u32 s24, $0xB;
	s26 =	smax.u32 s6, $0x1  }
0xf: {  	s18 =	simm.s32 $0x2400;
	s24 =	simm.s32 $0x40;
	s6 =	simm.s32 $0x6  }
0x10: {  	[dreg:$0x4] =	wrdreg s7;
	s10 =	sshrl.u32 s16, $0x3;
	s8 =	sadd.s32 s1, s17  }
0x11: {  	[dreg:$0x7] =	wrdreg s9;
	s7 =	sshll.u32 s16, $0x4;
	s5 =	sadd.s32 s0, s5  }
0x12: {  	[dreg:$0xc] =	wrdreg s26;
	s16 =	simm.s32 $0x80;
	s10 =	sadd.s32 s1, s10  }
0x13: {  	s17 =	simm.s32 $0x400;
	s19 =	sadd.s32 $0x80, s8;
	[dreg:$0x5] =	wrdreg s10  }
0x14: {  	s26 =	simm.s32 $0x8400;
	s8 =	sadd.s32 $0xC0, s8;
	[dreg:$0x6] =	wrdreg s19  }
0x15: {  	s7 =	sadd.s32 s0, s7;
	s23 =	sadd.s32 $0x60000, s5;
	[dreg:$0x8] =	wrdreg s8  }
0x16: {  	s1 =	sadd.s32 s20, s1;
	s5 =	sadd.s32 $0x62000, s5;
	[dreg:$0x9] =	wrdreg s7  }
0x17: {  	s0 =	sadd.s32 s0, s25;
	s20 =	simm.s32 $0x4400;
	[dreg:$0xa] =	wrdreg s23  }
0x18: {  	s25 =	simm.s32 $0x2;
	[dreg:$0xb] =	wrdreg s5;
	s1 =	sadd.s32 s4, s1  }
0x19: {  	s10 =	sadd.s32 $0x6000, s0;
	s19 =	simm.s32 $0x100;
	s23 =	simm.s32 $0x3  }
0x1a: {  	s0 =	simm.s32 $0x380;
	s4 =	simm.s32 $0x4;
	s5 =	simm.s32 $0x5  }
0x1b: {  	s7 =	simm.s32 $0x0;
	[dreg:$0x3] =	wrdreg s1;
	s1 =	simm.s32 $0xE400  }
.LBB2_1:
0x1c: {  	s8 =	rddreg [dreg:$0x4]  }
0x1d: {  	[tilespmem:s2], [sflag:$0x1] =	stream.linear.gather [hbm4b:s8+s2], $0x200, $0x38;
	[tilespmem:$0x10400] =	vst v63  }
0x1e: {  	s11 =	rddreg [dreg:$0x5]  }
0x1f: {  	[tilespmem:s14], [sflag:$0x2] =	stream.linear.gather [hbm4b:s11+s2], $0x200, $0x38;
	[tilespmem:$0x10400] =	vst v63  }
0x20: {  	_ =	swait.ge [sflag:s15], $0x200  }
0x21: {  	[sflag:s15] =	ssyncset.done $0x0  }
0x22: {  	[sflag:s15] =	ssyncadd.s32 $0xFFFFFE00  }
0x23: {  	[tilespmem:s17], [sflag:$0x3] =	stream.indirect.gather [hbm4b:s3+s16], $0x40, s2, s16, $0xb8;
	[tilespmem:$0x10400] =	vst v63  }
0x24: {  	_ = 	snop  }
0x25: {  	[tilespmem:s18], [sflag:$0x3] =	stream.indirect.gather [hbm4b:s3+s16], $0x40, s16, s16, $0xb8;
	[tilespmem:$0x10400] =	vst v63  }
0x26: {  	_ = 	snop  }
0x27: {  	[tilespmem:s20], [sflag:$0x3] =	stream.indirect.gather [hbm4b:s3+s16], $0x40, s19, s16, $0xb8;
	[tilespmem:$0x10400] =	vst v63  }
0x28: {  	_ = 	snop  }
0x29: {  	[tilespmem:s22], [sflag:$0x3] =	stream.indirect.gather [hbm4b:s3+s16], $0x40, s21, s16, $0xb8;
	[tilespmem:$0x10400] =	vst v63  }
0x2a: {  	_ =	swait.ge [sflag:s23], $0x2000  }
0x2b: {  	[sflag:s23] =	ssyncset.done $0x0  }
0x2c: {  	[sflag:s23] =	ssyncadd.s32 $0xFFFFE000  }
0x2d: {  	_ =	swait.ge [sflag:s23], $0x2000  }
0x2e: {  	[sflag:s23] =	ssyncset.done $0x0  }
0x2f: {  	[sflag:s23] =	ssyncadd.s32 $0xFFFFE000  }
0x30: {  	_ =	swait.ge [sflag:s23], $0x2000  }
0x31: {  	[sflag:s23] =	ssyncset.done $0x0  }
0x32: {  	[sflag:s23] =	ssyncadd.s32 $0xFFFFE000  }
0x33: {  	_ =	swait.ge [sflag:s23], $0x2000  }
0x34: {  	[sflag:s23] =	ssyncset.done $0x0  }
0x35: {  	s12 =	rddreg [dreg:$0x6];
	[sflag:s23] =	ssyncadd.s32 $0xFFFFE000  }
0x36: {  	[tilespmem:s2], [sflag:$0x1] =	stream.linear.gather [hbm4b:s12+s2], $0x200, $0x38;
	[tilespmem:$0x10400] =	vst v63  }
0x37: {  	s13 =	rddreg [dreg:$0x7]  }
0x38: {  	[hbm4b:s13+s24] =	stream.strided.scatter [tilespmem:s17], [sflag:$0x5], $0x8000, s16, s24, $0x38;
	[tilespmem:$0x10400] =	vst v63  }
0x39: {  	_ =	swait.ge [sflag:s25], $0x200  }
0x3a: {  	[sflag:s25] =	ssyncset.done $0x0  }
0x3b: {  	[sflag:s25] =	ssyncadd.s32 $0xFFFFFE00  }
0x3c: {  	[tilespmem:s26], [sflag:$0x4] =	stream.indirect.gather [hbm4b:s3+s16], $0x40, s14, s16, $0xb8;
	[tilespmem:$0x10400] =	vst v63  }
0x3d: {  	_ = 	snop  }
0x3e: {  	[tilespmem:s29], [sflag:$0x4] =	stream.indirect.gather [hbm4b:s3+s16], $0x40, s28, s16, $0xb8;
	[tilespmem:$0x10400] =	vst v63  }
0x3f: {  	_ = 	snop  }
0x40: {  	[tilespmem:s31], [sflag:$0x4] =	stream.indirect.gather [hbm4b:s3+s16], $0x40, s30, s16, $0xb8;
	[tilespmem:$0x10400] =	vst v63  }
0x41: {  	_ = 	snop  }
0x42: {  	[tilespmem:s1], [sflag:$0x4] =	stream.indirect.gather [hbm4b:s3+s16], $0x40, s0, s16, $0xb8;
	[tilespmem:$0x10400] =	vst v63  }
0x43: {  	_ =	swait.ge [sflag:s4], $0x2000  }
0x44: {  	[sflag:s4] =	ssyncset.done $0x0  }
0x45: {  	[sflag:s4] =	ssyncadd.s32 $0xFFFFE000  }
0x46: {  	_ =	swait.ge [sflag:s4], $0x2000  }
0x47: {  	[sflag:s4] =	ssyncset.done $0x0  }
0x48: {  	[sflag:s4] =	ssyncadd.s32 $0xFFFFE000  }
0x49: {  	_ =	swait.ge [sflag:s4], $0x2000  }
0x4a: {  	[sflag:s4] =	ssyncset.done $0x0  }
0x4b: {  	[sflag:s4] =	ssyncadd.s32 $0xFFFFE000  }
0x4c: {  	_ =	swait.ge [sflag:s4], $0x2000  }
0x4d: {  	[sflag:s4] =	ssyncset.done $0x0  }
0x4e: {  	s9 =	rddreg [dreg:$0x8];
	[sflag:s4] =	ssyncadd.s32 $0xFFFFE000  }
0x4f: {  	[tilespmem:s14], [sflag:$0x2] =	stream.linear.gather [hbm4b:s9+s2], $0x200, $0x38;
	[tilespmem:$0x10400] =	vst v63  }
0x50: {  	s11 =	rddreg [dreg:$0x9]  }
0x51: {  	[hbm4b:s11+s24] =	stream.strided.scatter [tilespmem:s26], [sflag:$0x6], $0x8000, s16, s24, $0x38;
	[tilespmem:$0x10400] =	vst v63  }
0x52: {  	_ =	swait.ge [sflag:s15], $0x200  }
0x53: {  	[sflag:s15] =	ssyncset.done $0x0  }
0x54: {  	[sflag:s15] =	ssyncadd.s32 $0xFFFFFE00  }
0x55: {  	_ =	swait.ge [sflag:s5], $0x8000  }
0x56: {  	[sflag:s5] =	ssyncset.done $0x0  }
0x57: {  	[sflag:s5] =	ssyncadd.s32 $0xFFFF8000  }
0x58: {  	[tilespmem:s17], [sflag:$0x3] =	stream.indirect.gather [hbm4b:s3+s16], $0x40, s2, s16, $0xb8;
	[tilespmem:$0x10400] =	vst v63  }
0x59: {  	_ = 	snop  }
0x5a: {  	[tilespmem:s18], [sflag:$0x3] =	stream.indirect.gather [hbm4b:s3+s16], $0x40, s16, s16, $0xb8;
	[tilespmem:$0x10400] =	vst v63  }
0x5b: {  	_ = 	snop  }
0x5c: {  	[tilespmem:s20], [sflag:$0x3] =	stream.indirect.gather [hbm4b:s3+s16], $0x40, s19, s16, $0xb8;
	[tilespmem:$0x10400] =	vst v63  }
0x5d: {  	_ = 	snop  }
0x5e: {  	[tilespmem:s22], [sflag:$0x3] =	stream.indirect.gather [hbm4b:s3+s16], $0x40, s21, s16, $0xb8;
	[tilespmem:$0x10400] =	vst v63  }
0x5f: {  	_ =	swait.ge [sflag:s23], $0x2000  }
0x60: {  	[sflag:s23] =	ssyncset.done $0x0  }
0x61: {  	[sflag:s23] =	ssyncadd.s32 $0xFFFFE000  }
0x62: {  	_ =	swait.ge [sflag:s23], $0x2000  }
0x63: {  	[sflag:s23] =	ssyncset.done $0x0  }
0x64: {  	[sflag:s23] =	ssyncadd.s32 $0xFFFFE000  }
0x65: {  	_ =	swait.ge [sflag:s23], $0x2000  }
0x66: {  	[sflag:s23] =	ssyncset.done $0x0  }
0x67: {  	[sflag:s23] =	ssyncadd.s32 $0xFFFFE000  }
0x68: {  	_ =	swait.ge [sflag:s23], $0x2000  }
0x69: {  	s12 =	rddreg [dreg:$0x3]  }
0x6a: {  	[sflag:s23] =	ssyncset.done $0x0;
	s8 =	sadd.s32 $0x0, s12  }
0x6b: {  	[sflag:s23] =	ssyncadd.s32 $0xFFFFE000;
	s9 =	sadd.s32 $0x100, s8  }
0x6c: {  	[tilespmem:s2], [sflag:$0x1] =	stream.linear.gather [hbm4b:s9+s2], $0x200, $0x38;
	[tilespmem:$0x10400] =	vst v63  }
0x6d: {  	s13 =	sadd.s32 $0xFFFFE000, s10  }
0x6e: {  	[hbm4b:s13+s24] =	stream.strided.scatter [tilespmem:s17], [sflag:$0x5], $0x8000, s16, s24, $0x38;
	[tilespmem:$0x10400] =	vst v63  }
0x6f: {  	_ =	swait.ge [sflag:s25], $0x200  }
0x70: {  	[sflag:s25] =	ssyncset.done $0x0  }
0x71: {  	[sflag:s25] =	ssyncadd.s32 $0xFFFFFE00  }
0x72: {  	_ =	swait.ge [sflag:s6], $0x8000  }
0x73: {  	[sflag:s6] =	ssyncset.done $0x0  }
0x74: {  	[sflag:s6] =	ssyncadd.s32 $0xFFFF8000  }
0x75: {  	[tilespmem:s26], [sflag:$0x4] =	stream.indirect.gather [hbm4b:s3+s16], $0x40, s14, s16, $0xb8;
	[tilespmem:$0x10400] =	vst v63  }
0x76: {  	_ = 	snop  }
0x77: {  	[tilespmem:s29], [sflag:$0x4] =	stream.indirect.gather [hbm4b:s3+s16], $0x40, s28, s16, $0xb8;
	[tilespmem:$0x10400] =	vst v63  }
0x78: {  	_ = 	snop  }
0x79: {  	[tilespmem:s31], [sflag:$0x4] =	stream.indirect.gather [hbm4b:s3+s16], $0x40, s30, s16, $0xb8;
	[tilespmem:$0x10400] =	vst v63  }
0x7a: {  	_ = 	snop  }
0x7b: {  	[tilespmem:s1], [sflag:$0x4] =	stream.indirect.gather [hbm4b:s3+s16], $0x40, s0, s16, $0xb8;
	[tilespmem:$0x10400] =	vst v63  }
0x7c: {  	_ =	swait.ge [sflag:s4], $0x2000  }
0x7d: {  	[sflag:s4] =	ssyncset.done $0x0  }
0x7e: {  	[sflag:s4] =	ssyncadd.s32 $0xFFFFE000  }
0x7f: {  	_ =	swait.ge [sflag:s4], $0x2000  }
0x80: {  	[sflag:s4] =	ssyncset.done $0x0  }
0x81: {  	[sflag:s4] =	ssyncadd.s32 $0xFFFFE000  }
0x82: {  	_ =	swait.ge [sflag:s4], $0x2000  }
0x83: {  	[sflag:s4] =	ssyncset.done $0x0  }
0x84: {  	[sflag:s4] =	ssyncadd.s32 $0xFFFFE000  }
0x85: {  	_ =	swait.ge [sflag:s4], $0x2000  }
0x86: {  	[sflag:s4] =	ssyncset.done $0x0  }
0x87: {  	s8 =	sadd.s32 $0x140, s8;
	[sflag:s4] =	ssyncadd.s32 $0xFFFFE000  }
0x88: {  	[tilespmem:s14], [sflag:$0x2] =	stream.linear.gather [hbm4b:s8+s2], $0x200, $0x38;
	[tilespmem:$0x10400] =	vst v63  }
0x89: {  	s9 =	sadd.s32 $0x4000, s10;
	s13 =	smov.u32 s10;
	s8 =	simm.s32 $0x80  }
.LBB2_2:
0x8a: {  	[hbm4b:s13+s24] =	stream.strided.scatter [tilespmem:s26], [sflag:$0x6], $0x8000, s16, s24, $0x38;
	[tilespmem:$0x10400] =	vst v63  }
0x8b: {  	_ =	swait.ge [sflag:s15], $0x200  }
0x8c: {  	[sflag:s15] =	ssyncset.done $0x0  }
0x8d: {  	[sflag:s15] =	ssyncadd.s32 $0xFFFFFE00  }
0x8e: {  	_ =	swait.ge [sflag:s5], $0x8000  }
0x8f: {  	[sflag:s5] =	ssyncset.done $0x0  }
0x90: {  	[sflag:s5] =	ssyncadd.s32 $0xFFFF8000  }
0x91: {  	[tilespmem:s17], [sflag:$0x3] =	stream.indirect.gather [hbm4b:s3+s16], $0x40, s2, s16, $0xb8;
	[tilespmem:$0x10400] =	vst v63  }
0x92: {  	_ = 	snop  }
0x93: {  	[tilespmem:s18], [sflag:$0x3] =	stream.indirect.gather [hbm4b:s3+s16], $0x40, s16, s16, $0xb8;
	[tilespmem:$0x10400] =	vst v63  }
0x94: {  	_ = 	snop  }
0x95: {  	[tilespmem:s20], [sflag:$0x3] =	stream.indirect.gather [hbm4b:s3+s16], $0x40, s19, s16, $0xb8;
	[tilespmem:$0x10400] =	vst v63  }
0x96: {  	_ = 	snop  }
0x97: {  	[tilespmem:s22], [sflag:$0x3] =	stream.indirect.gather [hbm4b:s3+s16], $0x40, s21, s16, $0xb8;
	[tilespmem:$0x10400] =	vst v63  }
0x98: {  	_ =	swait.ge [sflag:s23], $0x2000  }
0x99: {  	[sflag:s23] =	ssyncset.done $0x0  }
0x9a: {  	[sflag:s23] =	ssyncadd.s32 $0xFFFFE000  }
0x9b: {  	_ =	swait.ge [sflag:s23], $0x2000  }
0x9c: {  	[sflag:s23] =	ssyncset.done $0x0  }
0x9d: {  	[sflag:s23] =	ssyncadd.s32 $0xFFFFE000  }
0x9e: {  	_ =	swait.ge [sflag:s23], $0x2000  }
0x9f: {  	[sflag:s23] =	ssyncset.done $0x0  }
0xa0: {  	[sflag:s23] =	ssyncadd.s32 $0xFFFFE000  }
0xa1: {  	_ =	swait.ge [sflag:s23], $0x2000  }
0xa2: {  	s11 =	smov.u32 s8;
	s12 =	rddreg [dreg:$0x3]  }
0xa3: {  	[sflag:s23] =	ssyncset.done $0x0;
	s11 =	sadd.s32 s11, s12  }
0xa4: {  	[sflag:s23] =	ssyncadd.s32 $0xFFFFE000;
	s12 =	sadd.s32 $0x100, s11  }
0xa5: {  	[tilespmem:s2], [sflag:$0x1] =	stream.linear.gather [hbm4b:s12+s2], $0x200, $0x38;
	[tilespmem:$0x10400] =	vst v63  }
0xa6: {  	s12 =	sadd.s32 $0xFFFFE000, s9  }
0xa7: {  	[hbm4b:s12+s24] =	stream.strided.scatter [tilespmem:s17], [sflag:$0x5], $0x8000, s16, s24, $0x38;
	[tilespmem:$0x10400] =	vst v63  }
0xa8: {  	_ =	swait.ge [sflag:s25], $0x200  }
0xa9: {  	[sflag:s25] =	ssyncset.done $0x0  }
0xaa: {  	[sflag:s25] =	ssyncadd.s32 $0xFFFFFE00  }
0xab: {  	_ =	swait.ge [sflag:s6], $0x8000  }
0xac: {  	[sflag:s6] =	ssyncset.done $0x0  }
0xad: {  	[sflag:s6] =	ssyncadd.s32 $0xFFFF8000  }
0xae: {  	[tilespmem:s26], [sflag:$0x4] =	stream.indirect.gather [hbm4b:s3+s16], $0x40, s14, s16, $0xb8;
	[tilespmem:$0x10400] =	vst v63  }
0xaf: {  	_ = 	snop  }
0xb0: {  	[tilespmem:s29], [sflag:$0x4] =	stream.indirect.gather [hbm4b:s3+s16], $0x40, s28, s16, $0xb8;
	[tilespmem:$0x10400] =	vst v63  }
0xb1: {  	_ = 	snop  }
0xb2: {  	[tilespmem:s31], [sflag:$0x4] =	stream.indirect.gather [hbm4b:s3+s16], $0x40, s30, s16, $0xb8;
	[tilespmem:$0x10400] =	vst v63  }
0xb3: {  	_ = 	snop  }
0xb4: {  	[tilespmem:s1], [sflag:$0x4] =	stream.indirect.gather [hbm4b:s3+s16], $0x40, s0, s16, $0xb8;
	[tilespmem:$0x10400] =	vst v63  }
0xb5: {  	_ =	swait.ge [sflag:s4], $0x2000  }
0xb6: {  	[sflag:s4] =	ssyncset.done $0x0  }
0xb7: {  	[sflag:s4] =	ssyncadd.s32 $0xFFFFE000  }
0xb8: {  	_ =	swait.ge [sflag:s4], $0x2000  }
0xb9: {  	[sflag:s4] =	ssyncset.done $0x0  }
0xba: {  	[sflag:s4] =	ssyncadd.s32 $0xFFFFE000  }
0xbb: {  	_ =	swait.ge [sflag:s4], $0x2000  }
0xbc: {  	p0 =	sne.s32 s8, $0xB00;
	[sflag:s4] =	ssyncset.done $0x0  }
.Ltmp0:
0xbd: {  	[sflag:s4] =	ssyncadd.s32 $0xFFFFE000;
	(pc) =	sbr.rel @p0 .LBB2_2-.Ltmp0, $4  }
0xbe: {  	_ =	swait.ge [sflag:s4], $0x2000  }
0xbf: {  	s13 =	smov.u32 s9;
	s8 =	sadd.s32 $0x80, s8;
	[sflag:s4] =	ssyncset.done $0x0  }
0xc0: {  	s11 =	sadd.s32 $0x140, s11;
	s9 =	sadd.s32 $0x4000, s9;
	[sflag:s4] =	ssyncadd.s32 $0xFFFFE000  }
0xc1: {  	[tilespmem:s14], [sflag:$0x2] =	stream.linear.gather [hbm4b:s11+s2], $0x200, $0x38;
	[tilespmem:$0x10400] =	vst v63  }
0xc2: {  	[hbm4b:s13+s24] =	stream.strided.scatter [tilespmem:s26], [sflag:$0x6], $0x8000, s16, s24, $0x38;
	[tilespmem:$0x10400] =	vst v63  }
0xc3: {  	_ =	swait.ge [sflag:s15], $0x200  }
0xc4: {  	[sflag:s15] =	ssyncset.done $0x0  }
0xc5: {  	[sflag:s15] =	ssyncadd.s32 $0xFFFFFE00  }
0xc6: {  	_ =	swait.ge [sflag:s5], $0x8000  }
0xc7: {  	[sflag:s5] =	ssyncset.done $0x0  }
0xc8: {  	[sflag:s5] =	ssyncadd.s32 $0xFFFF8000  }
0xc9: {  	[tilespmem:s17], [sflag:$0x3] =	stream.indirect.gather [hbm4b:s3+s16], $0x40, s2, s16, $0xb8;
	[tilespmem:$0x10400] =	vst v63  }
0xca: {  	_ = 	snop  }
0xcb: {  	[tilespmem:s18], [sflag:$0x3] =	stream.indirect.gather [hbm4b:s3+s16], $0x40, s16, s16, $0xb8;
	[tilespmem:$0x10400] =	vst v63  }
0xcc: {  	_ = 	snop  }
0xcd: {  	[tilespmem:s20], [sflag:$0x3] =	stream.indirect.gather [hbm4b:s3+s16], $0x40, s19, s16, $0xb8;
	[tilespmem:$0x10400] =	vst v63  }
0xce: {  	_ = 	snop  }
0xcf: {  	[tilespmem:s22], [sflag:$0x3] =	stream.indirect.gather [hbm4b:s3+s16], $0x40, s21, s16, $0xb8;
	[tilespmem:$0x10400] =	vst v63  }
0xd0: {  	_ =	swait.ge [sflag:s23], $0x2000  }
0xd1: {  	[sflag:s23] =	ssyncset.done $0x0  }
0xd2: {  	[sflag:s23] =	ssyncadd.s32 $0xFFFFE000  }
0xd3: {  	_ =	swait.ge [sflag:s23], $0x2000  }
0xd4: {  	[sflag:s23] =	ssyncset.done $0x0  }
0xd5: {  	[sflag:s23] =	ssyncadd.s32 $0xFFFFE000  }
0xd6: {  	_ =	swait.ge [sflag:s23], $0x2000  }
0xd7: {  	[sflag:s23] =	ssyncset.done $0x0  }
0xd8: {  	[sflag:s23] =	ssyncadd.s32 $0xFFFFE000  }
0xd9: {  	_ =	swait.ge [sflag:s23], $0x2000  }
0xda: {  	[sflag:s23] =	ssyncset.done $0x0  }
0xdb: {  	s8 =	rddreg [dreg:$0xa];
	[sflag:s23] =	ssyncadd.s32 $0xFFFFE000  }
0xdc: {  	[hbm4b:s8+s24] =	stream.strided.scatter [tilespmem:s17], [sflag:$0x5], $0x8000, s16, s24, $0x38;
	[tilespmem:$0x10400] =	vst v63  }
0xdd: {  	_ =	swait.ge [sflag:s25], $0x200  }
0xde: {  	[sflag:s25] =	ssyncset.done $0x0  }
0xdf: {  	[sflag:s25] =	ssyncadd.s32 $0xFFFFFE00  }
0xe0: {  	_ =	swait.ge [sflag:s6], $0x8000  }
0xe1: {  	[sflag:s6] =	ssyncset.done $0x0  }
0xe2: {  	[sflag:s6] =	ssyncadd.s32 $0xFFFF8000  }
0xe3: {  	[tilespmem:s26], [sflag:$0x4] =	stream.indirect.gather [hbm4b:s3+s16], $0x40, s14, s16, $0xb8;
	[tilespmem:$0x10400] =	vst v63  }
0xe4: {  	_ = 	snop  }
0xe5: {  	[tilespmem:s29], [sflag:$0x4] =	stream.indirect.gather [hbm4b:s3+s16], $0x40, s28, s16, $0xb8;
	[tilespmem:$0x10400] =	vst v63  }
0xe6: {  	_ = 	snop  }
0xe7: {  	[tilespmem:s31], [sflag:$0x4] =	stream.indirect.gather [hbm4b:s3+s16], $0x40, s30, s16, $0xb8;
	[tilespmem:$0x10400] =	vst v63  }
0xe8: {  	_ = 	snop  }
0xe9: {  	[tilespmem:s1], [sflag:$0x4] =	stream.indirect.gather [hbm4b:s3+s16], $0x40, s0, s16, $0xb8;
	[tilespmem:$0x10400] =	vst v63  }
0xea: {  	_ =	swait.ge [sflag:s4], $0x2000  }
0xeb: {  	[sflag:s4] =	ssyncset.done $0x0  }
0xec: {  	[sflag:s4] =	ssyncadd.s32 $0xFFFFE000  }
0xed: {  	_ =	swait.ge [sflag:s4], $0x2000  }
0xee: {  	[sflag:s4] =	ssyncset.done $0x0  }
0xef: {  	[sflag:s4] =	ssyncadd.s32 $0xFFFFE000  }
0xf0: {  	_ =	swait.ge [sflag:s4], $0x2000  }
0xf1: {  	[sflag:s4] =	ssyncset.done $0x0  }
0xf2: {  	[sflag:s4] =	ssyncadd.s32 $0xFFFFE000  }
0xf3: {  	_ =	swait.ge [sflag:s4], $0x2000  }
0xf4: {  	[sflag:s4] =	ssyncset.done $0x0  }
0xf5: {  	s12 =	rddreg [dreg:$0xb];
	[sflag:s4] =	ssyncadd.s32 $0xFFFFE000  }
0xf6: {  	[hbm4b:s12+s24] =	stream.strided.scatter [tilespmem:s26], [sflag:$0x6], $0x8000, s16, s24, $0x38;
	[tilespmem:$0x10400] =	vst v63  }
0xf7: {  	_ =	swait.ge [sflag:s5], $0x8000  }
0xf8: {  	[sflag:s5] =	ssyncset.done $0x0  }
0xf9: {  	[sflag:s5] =	ssyncadd.s32 $0xFFFF8000  }
0xfa: {  	_ =	swait.ge [sflag:s6], $0x8000  }
0xfb: {  	s7 =	sadd.s32 $0x1, s7;
	s13 =	rddreg [dreg:$0xc]  }
0xfc: {  	p0 =	sne.s32 s7, s13  }
.Ltmp1:
0xfd: {  	_ = 	snop;
	(pc) =	sbr.rel @p0 .LBB2_1-.Ltmp1, $3  }
0xfe: {  	_ =	sdelay $0x1  }
0xff: {  	[sflag:s6] =	ssyncset.done $0x0  }
0x100: {  	[sflag:s6] =	ssyncadd.s32 $0xFFFF8000  }
0x101: {  	_ =	sfence.sel $0x180000  }
0x102: {  	[bflag:$0x0] =	sbarrier.arrive $0xFFFF  }
0x103: {  	_ =	strace $0x90000047  }
0x104: {  	s0 =	stileid.u32;
	[bflag:$0x2] =	sbarrier.arrive $0xFFFF  }
0x105: {  	p0 =	sne.s32 s0, $0x0;
	s0 =	rddreg [dreg:$0x2]  }
0x106: {  	s0 =	sadd.s32 @!p0 $0x100000, s0  }
0x107: {  	[sflag:s0] =	ssyncadd.tile.s32 @!p0 $0x1;
	_ =	shalt  }
.Lfunc_end2:
_tile_overlayer_lowered:
.L_overlay_start_2:
0x108: {  	(tag) =	ssettag $0x2  }
0x109: {  	s0 =	rddreg [dreg:$0x0];
	s2 =	stileid.u32  }
0x10a: {  	s1 =	rddreg [dreg:$0x1];
	p0 =	sne.s32 s2, $0x0  }
0x10b: {  	s3 =	rddreg [dreg:$0x2];
	[bflag:$0x3] =	sbarrier.arrive $0xFFFF;
	s2 =	simm.s32 @!p0 $0x1C07  }
0x10c: {  	[timem:s3], [sflag:s2] =	dma.local @!p0 [hbm:s0], s1  }
0x10d: {  	s0 =	simm.s32 @!p0 $0x7  }
0x10e: {  	_ =	swait.ge @!p0 [sflag:s0], s1  }
0x10f: {  	s1 =	ssub.s32 @!p0 $0x0, s1;
	[sflag:s0] =	ssyncset.done @!p0 $0x0  }
0x110: {  	[sflag:s0] =	ssyncadd.s32 @!p0 s1  }
0x111: {  	[bflag:$0x3] =	sbarrier.arrive $0xFFFF  }
0x112: {  	_ =	shalt  }

// kernel: sparse-core-data-format-call.cloned.1.call-start
scs
called_computation_lowered:
.L_overlay_start_0:
0x0: {  	s2 =	sld [smem:$0x3FD9]  }
0x1: {  	s3 =	sld [smem:$0x3FFE];
	_ =	sdelay $0x1  }
0x2: {  	s1 =	srdreg.scid  }
0x3: {  	s0 =	sand.u32 $0x1, s1  }
0x4: {  	s18 =	sshll.u32 s0, $0xA;
	s2 =	sadd.s32 s3, s2  }
0x5: {  	s2 =	sadd.s32 s2, s18  }
0x6: {  	[smem:$0x3FC6] =	sst s2  }
0x7: {  	_ = 	snop  }
0x8: {  	s2 =	sld [smem:$0x3FD0];
	(tm) =	ssettm $0x1  }
0x9: {  	s19 =	sld [smem:$0x3FFB];
	_ =	sdelay $0x3  }
0xa: {  	_ =	strace s19  }
0xb: {  	s3 =	sld [smem:$0x3FFC];
	_ =	sdelay $0x3  }
0xc: {  	_ =	strace s3  }
0xd: {  	s3 =	sld [smem:$0x3FFD];
	_ =	sdelay $0x3  }
0xe: {  	_ =	strace s3  }
0xf: {  	_ =	strace $0x8FFFFFFF  }
0x10: {  	s20 =	sld [smem:$0x3FDB];
	_ =	sdelay $0x1  }
0x11: {  	s4 =	simm.s32 $_scs_section_size  }
0x12: {  	s5 =	simm.s32 $_size__tile_overlayer_lowered;
	s6 =	simm.s32 $_tile_overlayer_lowered  }
0x13: {  	s23 =	simm.s32 $0x1BFF;
	s22 =	sshll.u32 s6, $0x1;
	s3 =	sadd.s32 s4, s20  }
0x14: {  	s7 =	simm.s32 $0x0;
	s21 =	sshll.u32 s5, $0x1;
	s5 =	sadd.s32 s22, s3  }
0x15: {  	[timem:s7], [sflag:s23] =	dma.local [hbm:s5], s21  }
0x16: {  	_ =	swait.ge [sflag:s23], s21  }
0x17: {  	s4 =	ssub.s32 $0x0, s21;
	[sflag:s23] =	ssyncset.done $0x0  }
0x18: {  	[sflag:s23] =	ssyncadd.s32 s4;
	_ =	sdelay $0x1  }
0x19: {  	s24 =	simm.s32 $0x1B8B  }
0x1a: {  	_ =	swait.ge [sflag:s24], $0x1  }
0x1b: {  	[sflag:s24] =	ssyncset.done $0x0  }
0x1c: {  	s26 =	simm.s32 $0x1B8E;
	s25 =	sld [smem:$0x3FFE];
	[sflag:s24] =	ssyncadd.s32 $0xFFFFFFFF  }
0x1d: {  	s27 =	simm.s32 $execute0_lowered;
	[smem:$0x3FD2] =	sst s26  }
0x1e: {  	s5 =	sshll.u32 s27, $0x1;
	_ =	strace $0x80000049;
	[dreg:$0x1] =	wrdreg $0xFFFFFFFF  }
0x1f: {  	s28 =	simm.s32 $_size_execute0_lowered;
	s3 =	sadd.s32 s3, s5;
	[dreg:$0x0] =	wrdreg $0x0  }
0x20: {  	s5 =	sshll.u32 s28, $0x1;
	[dreg:$0x2] =	wrdreg s3  }
0x21: {  	[dreg:$0x3] =	wrdreg s5  }
0x22: {  	[dreg:$0x4] =	wrdreg $0xC0  }
0x23: {  	_ =	task [dreg:s7], $0x5FFFF  }
0x24: {  	[dreg:$0x1] =	wrdreg $0xFFFFFFFF  }
0x25: {  	[dreg:$0x0] =	wrdreg $0x60  }
0x26: {  	[dreg:$0x2] =	wrdreg s25  }
0x27: {  	[dreg:$0x3] =	wrdreg s2  }
0x28: {  	[dreg:$0x4] =	wrdreg $0x9  }
0x29: {  	_ =	task.clear_ibuf [dreg:s7], $0x5FFFF;
	_ =	strace $0x90000049  }
0x2a: {  	s29 =	simm.s32 $0x9;
	_ =	strace $0x8000004B  }
0x2b: {  	_ =	swait.ge [sflag:s29], $0x1  }
0x2c: {  	[sflag:s29] =	ssyncadd.s32 $0xFFFFFFFF  }
0x2d: {  	_ =	strace $0x9000004B  }
0x2e: {  	_ =	sfence  }
0x2f: {  	s30 =	sld [smem:$0x0];
	_ =	sdelay $0x2  }
0x30: {  	s31 =	sshll.u32 s1, $0xD;
	s1 =	sshrl.u32 s1, $0x2  }
0x31: {  	s3 =	sand.u32 $0x4000, s31;
	s1 =	sadd.s32 s1, s30  }
0x32: {  	s0 =	sor.u32 s3, s0;
	s1 =	sshll.u32 s1, $0x11  }
0x33: {  	s0 =	sor.u32 s1, s0  }
0x34: {  	s0 =	sadd.s32 $0x8F2B, s0  }
0x35: {  	[sflag:s0] =	ssyncadd.remote.s32 $0x1  }
0x36: {  	_ =	sfence.sel $0xFFFF  }
0x37: {  	[dreg:$0x0] =	wrdreg $0xFFFFFFFF;
	(pc) =	sbr.abs _section_cstart, $3  }
0x38: {  	[dreg:$0x1] =	wrdreg $0xFFFFFFFF  }
0x39: {  	_ =	task.clear_ibuf [dreg:s7], $0x2FFFF;
	_ =	strace $0x9FFFFFFF  }
0x3a: {  	(tm) =	ssettm $0x7FFFFFFF  }
0x3b: {  	_ =	shalt  }
tec
execute0_lowered:
.L_overlay_start_1:
0x0: {  	(tag) =	ssettag $0x1  }
0x1: {  	s0 =	srdreg.scid  }
0x2: {  	s1 =	sshll.u32 s0, $0x4  }
0x3: {  	s0 =	stileid.u32;
	s1 =	sand.u32 $0x10, s1  }
0x4: {  	s1 =	sor.u32 s0, s1  }
0x5: {  	s6 =	rddreg [dreg:$0x0];
	s4 =	simm.s32 $0x1;
	s2 =	sshll.u32 s1, $0x7  }
0x6: {  	s7 =	simm.s32 $0x2;
	s12 =	simm.s32 $0x0;
	s1 =	ssub.s32 $0x1000, s2  }
0x7: {  	s8 =	simm.s32 $0x8000;
	s13 =	simm.s32 $0x0;
	s3 =	sand.u32 $0xF80, s1  }
0x8: {  	s9 =	simm.s32 $0x0;
	s5 =	sshrl.u32 s1, $0xC;
	p0 =	sne.s32 s3, $0x0  }
.Ltmp0:
0x9: {  	s1 =	rddreg [dreg:$0x2];
	s4 =	simm.s32 @!p0 $0x0;
	(pc) =	sbr.rel .LBB1_1-.Ltmp0, $4  }
0xa: {  	s11 =	simm.s32 $0x0;
	s3 =	rddreg [dreg:$0x1];
	s5 =	sadd.s32 s4, s5  }
0xb: {  	_ =	strace $0x8000004A;
	s4 =	simm.s32 $0x1;
	s5 =	smul.u32 $0xC8, s5  }
0xc: {  	s6 =	sadd.s32 $0xA00, s6;
	s10 =	smov.u32 s2;
	[sflag:s4] =	ssyncpa.u1 $0x0  }
0xd: {  	p0 =	por $0x0, $0x0;
	[sflag:s7] =	ssyncpa.u1 $0x0;
	s7 =	sor.u32 $0x1, s5  }
.LBB1_4:
0xe: {  	s16 =	sshll.u32 s13, $0x3;
	s17 =	sand.u32 $0x78, s13  }
0xf: {  	s30 =	sand.u32 $0x7E00, s13;
	s12 =	sshll.u32 s12, $0xF;
	s16 =	sand.u32 $0xC00, s16  }
0x10: {  	[tilespmem:s15+$0x810 ss:$0x81] =	vst.msk $0xffff, v2;
	s31 =	sand.u32 $0x7, s13;
	s16 =	sor.u32 s17, s16;
	s17 =	sadd.s32 s3, s30  }
0x11: {  	[tilespmem:s15+$0x1020 ss:$0x81] =	vst.msk $0xffff, v0;
	s13 =	sshll.u32 s31, $0x12;
	s12 =	sadd.s32 s12, s17;
	s16 =	sshrl.u32 s16, $0x3  }
0x12: {  	[tilespmem:s15+$0x0 ss:$0x81] =	vst.msk $0xffff, v1;
	s13 =	sor.u32 $0x400, s13;
	s12 =	sadd.s32 s16, s12  }
0x13: {  	[hbm4b:s12+s13] =	stream.strided.scatter [tilespmem:s14], [sflag:$0x2], $0x2000, s8, s13, $0x20;
	[tilespmem:$0x8080] =	vst v63  }
.LBB1_5:
0x14: {  	s14 =	sadd.s32 $0x1, s9  }
0x15: {  	s12 =	sadd.s32 $0x1000, s10;
	s16 =	smov.u32 s10;
	p2 =	sgt.s32 s14, $0xC7  }
0x16: {  	s16 =	smov.u32 @p2 s12  }
0x17: {  	s14 =	simm.s32 @p2 $0x0;
	p2 =	sgt.s32 s16, $0xFFF  }
0x18: {  	s16 =	smov.u32 @p2 s2;
	p2 =	sne.s32 s11, s7  }
.Ltmp1:
0x19: {  	p1 =	slt.u32 s11, $0x2;
	(pc) =	sbr.rel @!p2 .LBB1_6-.Ltmp1, $4  }
0x1a: {  	s15 =	simm.s32 @!p1 $0x2  }
0x1b: {  	s13 =	smov.u32 s10;
	p0 =	por !p0, !p0;
	_ =	swait.ge @!p1 [sflag:s15], $0x2000  }
0x1c: {  	s12 =	smov.u32 s9;
	[sflag:s15] =	ssyncset.done @!p1 $0x0;
	s9 =	smov.u32 s14  }
0x1d: {  	s11 =	sadd.s32 $0x1, s11;
	[sflag:s15] =	ssyncadd.s32 @!p1 $0xFFFFE000;
	s10 =	smov.u32 s16  }
.LBB1_1:
0x1e: {  	p1 =	sge.u32 s11, s5  }
0x1f: {  	s14 =	sand.u32 @!p1 $0x1FFFFFF, s9  }
0x20: {  	s15 =	smulhi.u32 @!p1 $0x147AE15, s14;
	_ =	sdelay $0x1  }
0x21: {  	s15 =	smul.u32 @!p1 $0xC8, s15  }
0x22: {  	s16 =	sxor.u32 @!p1 $0xFFFFFFFF, s11;
	s17 =	smul.u32 @!p1 $0xC80, s10  }
0x23: {  	s31 =	sadd.s32 $0xFFFFFFFF, s11;
	s16 =	sshll.u32 @!p1 s16, $0xD;
	s14 =	ssub.s32 @!p1 s14, s15  }
0x24: {  	s15 =	sand.u32 @!p1 $0x2000, s16;
	s16 =	sadd.s32 @!p1 s6, s17;
	s14 =	sshll.u32 @!p1 s14, $0x4  }
0x25: {  	s17 =	simm.s32 @!p1 $0x6400;
	s14 =	sadd.s32 @!p1 s14, s16;
	s16 =	simm.s32 @!p1 $0x40  }
0x26: {  	[tilespmem:s15], [sflag:$0x1] =	stream.strided.gather @!p1 [hbm4b:s14+s16], $0x2000, s17, s16, $0x38;
	[tilespmem:$0x8080] =	vst v63  }
0x27: {  	p1 =	sge.u32 s31, s5  }
.Ltmp2:
0x28: {  	_ = 	snop;
	(pc) =	sbr.rel @p1 .LBB1_5-.Ltmp2, $1  }
0x29: {  	_ =	sdelay $0x3  }
0x2a: {  	s14 =	simm.s32 $0x1  }
0x2b: {  	_ =	swait.ge [sflag:s4], $0x2000;
	s14 =	simm.s32 @!p0 $0x0  }
0x2c: {  	[sflag:s4] =	ssyncset.done $0x0;
	s15 =	sshll.u32 s14, $0xD  }
0x2d: {  	[sflag:s4] =	ssyncadd.s32 $0xFFFFE000;
	s18 =	sor.u32 $0x20, s15  }
0x2e: {  	s14 =	smul.u32 $0x8100, s14;
	v3 =	vld [tilespmem:s18+$0x10]  }
0x2f: {  	s30 =	sand.u32 $0x1, s11;
	v2 =	vld [tilespmem:s18+$0xFFFFFFF0]  }
0x30: {  	s15 =	smul.u32 $0x8100, s30;
	s14 =	sshrl.u32 s14, $0x2;
	v0 =	vld [tilespmem:s18+$0x0]  }
0x31: {  	v1 =	vld [tilespmem:s18+$0xFFFFFFE0];
	s16 =	sor.u32 $0x4000, s14  }
0x32: {  	s31 =	sshrl.u32 s15, $0x2;
	s15 =	sadd.s32 $0x0, s16  }
0x33: {  	s17 =	simm.s32 $0x4;
	s18 =	sadd.s32 $0x40, s18;
	s14 =	sor.u32 $0x4000, s31;
	[tilespmem:s15+$0x1830 ss:$0x81] =	vst.msk $0xffff, v3  }
.LBB1_3:
0x34: {  	v3 =	vld [tilespmem:s18+$0x10];
	p1 =	sne.s32 s17, $0x1FC;
	[tilespmem:s15+$0x810 ss:$0x81] =	vst.msk $0xffff, v2;
	s19 =	smov.u32 s17;
	s17 =	sadd.s32 $0x4, s17  }
.Ltmp3:
0x35: {  	v2 =	vld [tilespmem:s18+$0xFFFFFFF0];
	[tilespmem:s15+$0x1020 ss:$0x81] =	vst.msk $0xffff, v0;
	(pc) =	sbr.rel @p1 .LBB1_3-.Ltmp3, $4  }
0x36: {  	v0 =	vld [tilespmem:s18+$0x0];
	[tilespmem:s15+$0x0 ss:$0x81] =	vst.msk $0xffff, v1  }
0x37: {  	s15 =	sshra.s32 s19, $0x2;
	v1 =	vld [tilespmem:s18+$0xFFFFFFE0]  }
0x38: {  	s15 =	sadd.s32 s15, s16  }
0x39: {  	s18 =	sadd.s32 $0x40, s18;
	[tilespmem:s15+$0x1830 ss:$0x81] =	vst.msk $0xffff, v3  }
.Ltmp4:
0x3a: {  	_ = 	snop;
	(pc) =	sbr.rel .LBB1_4-.Ltmp4, $1  }
0x3b: {  	_ =	sdelay $0x3  }
.LBB1_6:
0x3c: {  	_ =	sfence.sel $0x180000  }
0x3d: {  	s2 =	simm.s32 $0x1;
	[bflag:$0x0] =	sbarrier.arrive $0xFFFF  }
0x3e: {  	s31 =	simm.s32 $0x2;
	[sflag:s2] =	ssyncpa.u1 $0x1  }
0x3f: {  	[sflag:s31] =	ssyncpa.u1 $0x1  }
0x40: {  	p0 =	sne.s32 s0, $0x0;
	_ =	strace $0x9000004A  }
0x41: {  	s0 =	sadd.s32 @!p0 $0x100000, s1;
	[bflag:$0x2] =	sbarrier.arrive $0xFFFF  }
0x42: {  	[sflag:s0] =	ssyncadd.tile.s32 @!p0 $0x1;
	_ =	shalt  }
.Lfunc_end1:
_tile_overlayer_lowered:
.L_overlay_start_2:
0x43: {  	(tag) =	ssettag $0x2  }
0x44: {  	s0 =	rddreg [dreg:$0x0];
	s2 =	stileid.u32  }
0x45: {  	s1 =	rddreg [dreg:$0x1];
	p0 =	sne.s32 s2, $0x0  }
0x46: {  	s3 =	rddreg [dreg:$0x2];
	[bflag:$0x3] =	sbarrier.arrive $0xFFFF;
	s2 =	simm.s32 @!p0 $0x1C01  }
0x47: {  	[timem:s3], [sflag:s2] =	dma.local @!p0 [hbm:s0], s1  }
0x48: {  	s0 =	simm.s32 @!p0 $0x1  }
0x49: {  	_ =	swait.ge @!p0 [sflag:s0], s1  }
0x4a: {  	s1 =	ssub.s32 @!p0 $0x0, s1;
	[sflag:s0] =	ssyncset.done @!p0 $0x0  }
0x4b: {  	[sflag:s0] =	ssyncadd.s32 @!p0 s1  }
0x4c: {  	[bflag:$0x3] =	sbarrier.arrive $0xFFFF  }
0x4d: {  	_ =	shalt  }

</sc_bundles>
